<compile_context>
chip_gen: v7x
topology: tpu7x:2x2x1
jax: 0.10.2.dev20260603
libtpu: 0.0.44.dev20260713+nightly
codegen_flags: <defaults>
</compile_context>

<pallas_src>
import functools

import jax
import jax.numpy as jnp
from jax import lax
from jax.experimental import pallas as pl
from jax.experimental.pallas import tpu as pltpu
from jax.experimental.pallas import tpu_sc as plsc

NN = 10000
EE = 320000
L = 16
NC = 2
NS = 16
BATCH = 80
R = 20480
RPT = R // NS
DUMMY = 2 * NN
BN = 1000
GRID_N = NN // BN
NEG_BLKS = NN // BN
CH1 = EE // (NC * NS)
CH2 = EE // NS
SB = 2000
NBS = SB // BATCH
NSUP1 = CH1 // SB
NSUP2 = CH2 // SB

_F32 = jnp.float32
_MESH = dict(core_axis_name="c", subcore_axis_name="s", num_cores=NC, num_subcores=NS)



def _stage_and_index(t, e0, src_hbm, dst_hbm, w_hbm,
                     src_v, dst_v, w_v, gidx_v, sidx_v, goff):
    b0 = e0 + t * SB
    pltpu.sync_copy(src_hbm.at[pl.ds(b0, SB)], src_v)
    pltpu.sync_copy(dst_hbm.at[pl.ds(b0, SB)], dst_v)
    pltpu.sync_copy(w_hbm.at[pl.ds(b0, SB)], w_v)

    def idx_body(k, carry):
        b = k // (BATCH // L)
        j = k % (BATCH // L)
        off = k * L
        sv = src_v[pl.ds(off, L)]
        dv = dst_v[pl.ds(off, L)]
        wv = w_v[pl.ds(off, L)]
        neg = jnp.where(wv < 0.0, NN, 0)
        gidx_v[b, pl.ds(j * L, L)] = sv + neg + goff
        sidx_v[b, pl.ds(j * L, L)] = jnp.where(wv == 0.0, DUMMY, dv + neg)
        return carry

    lax.fori_loop(0, SB // L, idx_body, 0)


def _stream_batches(tab_hbm, gidx_v, sidx_v, rows0, rows1, sem0, sem1,
                    acc_sh, scatter_extra):
    pltpu.async_copy(tab_hbm.at[gidx_v.at[0]], rows0, sem0)

    def pair_body(kk, carry):
        k0 = 2 * kk
        pltpu.make_async_copy(tab_hbm.at[gidx_v.at[k0]], rows0, sem0).wait()
        pltpu.async_copy(tab_hbm.at[gidx_v.at[k0 + 1]], rows1, sem1)
        pltpu.sync_copy(rows0, acc_sh.at[sidx_v.at[k0]], add=True)
        scatter_extra(k0)
        pltpu.make_async_copy(tab_hbm.at[gidx_v.at[k0 + 1]], rows1, sem1).wait()
        pltpu.async_copy(tab_hbm.at[gidx_v.at[k0 + 2]], rows0, sem0)
        pltpu.sync_copy(rows1, acc_sh.at[sidx_v.at[k0 + 1]], add=True)
        scatter_extra(k0 + 1)
        return carry

    lax.fori_loop(0, (NBS - 1) // 2, pair_body, 0)
    last = NBS - 1
    pltpu.make_async_copy(tab_hbm.at[gidx_v.at[last]], rows0, sem0).wait()
    pltpu.sync_copy(rows0, acc_sh.at[sidx_v.at[last]], add=True)
    scatter_extra(last)


def _sc1_body(src_hbm, dst_hbm, w_hbm, tab_hbm, zrows_hbm, zcnt_hbm,
              psum_hbm, pcnt_hbm,
              src_v, dst_v, w_v, gidx_v, sidx_v, rows0_v, rows1_v, ones_v,
              acc_sh, cnt_sh, sem0, sem1):
    c = lax.axis_index("c")
    s = lax.axis_index("s")
    wid = s * NC + c
    row0 = s * RPT
    pltpu.sync_copy(zrows_hbm.at[pl.ds(row0, RPT)], acc_sh.at[pl.ds(row0, RPT)])
    pltpu.sync_copy(zcnt_hbm.at[pl.ds(row0, RPT)], cnt_sh.at[pl.ds(row0, RPT)])
    for j in range(BATCH // L):
        ones_v[pl.ds(j * L, L)] = jnp.ones((L,), _F32)
    e0 = wid * CH1
    plsc.subcore_barrier()

    def super_body(t, carry):
        _stage_and_index(t, e0, src_hbm, dst_hbm, w_hbm,
                         src_v, dst_v, w_v, gidx_v, sidx_v, 0)

        def cnt_scatter(k):
            pltpu.sync_copy(ones_v, cnt_sh.at[sidx_v.at[k]], add=True)

        _stream_batches(tab_hbm, gidx_v, sidx_v, rows0_v, rows1_v,
                        sem0, sem1, acc_sh, cnt_scatter)
        return carry

    lax.fori_loop(0, NSUP1, super_body, 0)
    plsc.subcore_barrier()
    pltpu.sync_copy(acc_sh.at[pl.ds(row0, RPT)],
                    psum_hbm.at[c, pl.ds(row0, RPT)])
    pltpu.sync_copy(cnt_sh.at[pl.ds(row0, RPT)],
                    pcnt_hbm.at[c, pl.ds(row0, RPT)])


def _make_sc1():
  return pl.kernel(
    _sc1_body,
    out_type=[
        jax.ShapeDtypeStruct((NC, R, 64), jnp.bfloat16),
        jax.ShapeDtypeStruct((NC, R), _F32),
    ],
    mesh=plsc.VectorSubcoreMesh(**_MESH),
    compiler_params=pltpu.CompilerParams(use_tc_tiling_on_sc=False),
    scratch_types=[
        pltpu.VMEM((SB,), jnp.int32),
        pltpu.VMEM((SB,), jnp.int32),
        pltpu.VMEM((SB,), _F32),
        pltpu.VMEM((NBS, BATCH), jnp.int32),
        pltpu.VMEM((NBS, BATCH), jnp.int32),
        pltpu.VMEM((BATCH, 64), jnp.bfloat16),
        pltpu.VMEM((BATCH, 64), jnp.bfloat16),
        pltpu.VMEM((BATCH,), _F32),
        pltpu.VMEM_SHARED((R, 64), jnp.bfloat16),
        pltpu.VMEM_SHARED((R,), _F32),
        pltpu.SemaphoreType.DMA,
        pltpu.SemaphoreType.DMA,
    ],
)



def _sc2_body(tab_hbm, src_hbm, dst_hbm, w_hbm, zrows_hbm, acc2_hbm,
              src_v, dst_v, w_v, gidx_v, sidx_v, rows0_v, rows1_v,
              acc_sh, sem0, sem1):
    c = lax.axis_index("c")
    s = lax.axis_index("s")
    wid = s * NC + c
    row0 = s * RPT
    pltpu.sync_copy(zrows_hbm.at[pl.ds(row0, RPT)], acc_sh.at[pl.ds(row0, RPT)])
    e0 = wid * CH1
    plsc.subcore_barrier()

    def super_body(t, carry):
        _stage_and_index(t, e0, src_hbm, dst_hbm, w_hbm,
                         src_v, dst_v, w_v, gidx_v, sidx_v, 0)
        _stream_batches(tab_hbm, gidx_v, sidx_v, rows0_v, rows1_v,
                        sem0, sem1, acc_sh, lambda k: None)
        return carry

    lax.fori_loop(0, NSUP1, super_body, 0)
    plsc.subcore_barrier()
    pltpu.sync_copy(acc_sh.at[pl.ds(row0, RPT)],
                    acc2_hbm.at[c, pl.ds(row0, RPT)])


def _make_sc2():
  return pl.kernel(
    _sc2_body,
    out_type=[jax.ShapeDtypeStruct((NC, R, 128), jnp.bfloat16)],
    mesh=plsc.VectorSubcoreMesh(**_MESH),
    compiler_params=pltpu.CompilerParams(use_tc_tiling_on_sc=False),
    scratch_types=[
        pltpu.VMEM((SB,), jnp.int32),
        pltpu.VMEM((SB,), jnp.int32),
        pltpu.VMEM((SB,), _F32),
        pltpu.VMEM((NBS, BATCH), jnp.int32),
        pltpu.VMEM((NBS, BATCH), jnp.int32),
        pltpu.VMEM((BATCH, 128), jnp.bfloat16),
        pltpu.VMEM((BATCH, 128), jnp.bfloat16),
        pltpu.VMEM_SHARED((R, 128), jnp.bfloat16),
        pltpu.SemaphoreType.DMA,
        pltpu.SemaphoreType.DMA,
    ],
)



def _full(shape):
    nd = len(shape)
    return pl.BlockSpec(shape, lambda i: (0,) * nd)


def _tc1_body(x_ref, w1p_ref, w1n_ref, b1p_ref, b1n_ref, tab_ref, base_ref):
    xb = x_ref[...]
    w1p = w1p_ref[...]
    w1n = w1n_ref[...]
    tab_ref[0] = jnp.dot(xb, w1p[:128], preferred_element_type=_F32).astype(jnp.bfloat16)
    tab_ref[1] = jnp.dot(xb, w1n[:128], preferred_element_type=_F32).astype(jnp.bfloat16)
    base_ref[0] = jnp.dot(xb, w1p[128:], preferred_element_type=_F32) + b1p_ref[...]
    base_ref[1] = jnp.dot(xb, w1n[128:], preferred_element_type=_F32) + b1n_ref[...]


_tc1 = pl.pallas_call(
    _tc1_body,
    grid=(GRID_N,),
    in_specs=[
        pl.BlockSpec((BN, 128), lambda i: (i, 0)),
        _full((256, 64)), _full((256, 64)), _full((64,)), _full((64,)),
    ],
    out_specs=[
        pl.BlockSpec((2, BN, 64), lambda i: (0, i, 0)),
        pl.BlockSpec((2, BN, 64), lambda i: (0, i, 0)),
    ],
    out_shape=[
        jax.ShapeDtypeStruct((2, NN, 64), jnp.bfloat16),
        jax.ShapeDtypeStruct((2, NN, 64), _F32),
    ],
)


def _ln_halves(hp, hn, g_ref, be_ref):
    m = (jnp.sum(hp, 1, keepdims=True) + jnp.sum(hn, 1, keepdims=True)) / 128.0
    dp = hp - m
    dn = hn - m
    var = (jnp.sum(dp * dp, 1, keepdims=True)
           + jnp.sum(dn * dn, 1, keepdims=True)) / 128.0
    inv = lax.rsqrt(var + 1e-5)
    g = g_ref[...]
    be = be_ref[...]
    return dp * inv * g[:64] + be[:64], dn * inv * g[64:] + be[64:]


def _tc2_body(sp0, sp1, sn0, sn1, cp0, cp1, cn0, cn1, base1_ref,
              w2p_ref, w2n_ref, b2p_ref, b2n_ref, g1_ref, be1_ref,
              t2_ref, base2_ref):
    cp = jnp.maximum(cp0[0] + cp1[0], 1.0)
    cn = jnp.maximum(cn0[0] + cn1[0], 1.0)
    hp = (sp0[0].astype(_F32) + sp1[0].astype(_F32)) / cp + base1_ref[0]
    hn = (sn0[0].astype(_F32) + sn1[0].astype(_F32)) / cn + base1_ref[1]
    hp = jnp.maximum(hp, 0.0)
    hn = jnp.maximum(hn, 0.0)
    hp, hn = _ln_halves(hp, hn, g1_ref, be1_ref)
    w2p = w2p_ref[...]
    w2n = w2n_ref[...]
    t2_ref[0, :, 0:64] = jnp.dot(hp, w2p[:64], preferred_element_type=_F32).astype(jnp.bfloat16)
    t2_ref[0, :, 64:128] = jnp.dot(hn, w2n[:64], preferred_element_type=_F32).astype(jnp.bfloat16)
    t2_ref[1, :, 0:64] = jnp.dot(hn, w2p[64:128], preferred_element_type=_F32).astype(jnp.bfloat16)
    t2_ref[1, :, 64:128] = jnp.dot(hp, w2n[64:128], preferred_element_type=_F32).astype(jnp.bfloat16)
    base2_ref[0] = jnp.dot(hp, w2p[128:], preferred_element_type=_F32) + b2p_ref[...]
    base2_ref[1] = jnp.dot(hn, w2n[128:], preferred_element_type=_F32) + b2n_ref[...]


def _psum_specs():
    return [
        pl.BlockSpec((1, BN, 64), lambda i: (0, i, 0)),
        pl.BlockSpec((1, BN, 64), lambda i: (1, i, 0)),
        pl.BlockSpec((1, BN, 64), lambda i: (0, i + NEG_BLKS, 0)),
        pl.BlockSpec((1, BN, 64), lambda i: (1, i + NEG_BLKS, 0)),
    ]


def _pcnt_specs():
    return [
        pl.BlockSpec((1, BN, 1), lambda i: (0, i, 0)),
        pl.BlockSpec((1, BN, 1), lambda i: (1, i, 0)),
        pl.BlockSpec((1, BN, 1), lambda i: (0, i + NEG_BLKS, 0)),
        pl.BlockSpec((1, BN, 1), lambda i: (1, i + NEG_BLKS, 0)),
    ]


def _tc2_specs():
    ps = _psum_specs()
    cs = _pcnt_specs()
    return [ps[0], ps[1], ps[2], ps[3], cs[0], cs[1], cs[2], cs[3],
            pl.BlockSpec((2, BN, 64), lambda i: (0, i, 0)),
            _full((192, 64)), _full((192, 64)), _full((64,)), _full((64,)),
            _full((128,)), _full((128,))]


_tc2 = pl.pallas_call(
    _tc2_body,
    grid=(GRID_N,),
    in_specs=_tc2_specs(),
    out_specs=[
        pl.BlockSpec((2, BN, 128), lambda i: (0, i, 0)),
        pl.BlockSpec((2, BN, 64), lambda i: (0, i, 0)),
    ],
    out_shape=[
        jax.ShapeDtypeStruct((2, NN, 128), jnp.bfloat16),
        jax.ShapeDtypeStruct((2, NN, 64), _F32),
    ],
)


def _tc3_body(pc0, pc1, nc0, nc1,
              cp0, cp1, cn0, cn1, base2_ref, g2_ref, be2_ref, out_ref):
    invp = 1.0 / jnp.maximum(cp0[0] + cp1[0], 1.0)
    invn = 1.0 / jnp.maximum(cn0[0] + cn1[0], 1.0)
    pos = pc0[0].astype(_F32) + pc1[0].astype(_F32)
    neg = nc0[0].astype(_F32) + nc1[0].astype(_F32)
    op = pos[:, :64] * invp + neg[:, :64] * invn + base2_ref[0]
    on = pos[:, 64:] * invp + neg[:, 64:] * invn + base2_ref[1]
    op = jnp.maximum(op, 0.0)
    on = jnp.maximum(on, 0.0)
    op, on = _ln_halves(op, on, g2_ref, be2_ref)
    out_ref[:, :64] = op
    out_ref[:, 64:] = on


def _acc2_specs():
    return [
        pl.BlockSpec((1, BN, 128), lambda i: (0, i, 0)),
        pl.BlockSpec((1, BN, 128), lambda i: (1, i, 0)),
        pl.BlockSpec((1, BN, 128), lambda i: (0, i + NEG_BLKS, 0)),
        pl.BlockSpec((1, BN, 128), lambda i: (1, i + NEG_BLKS, 0)),
    ]


_tc3 = pl.pallas_call(
    _tc3_body,
    grid=(GRID_N,),
    in_specs=_acc2_specs() + _pcnt_specs() + [
        pl.BlockSpec((2, BN, 64), lambda i: (0, i, 0)),
        _full((128,)), _full((128,)),
    ],
    out_specs=pl.BlockSpec((BN, 128), lambda i: (i, 0)),
    out_shape=jax.ShapeDtypeStruct((NN, 128), _F32),
)



@functools.lru_cache(maxsize=None)
def _sc_kernels():
    return _make_sc1(), _make_sc2()


def kernel(x, edge_index, edge_weight, W1p, b1p, W1n, b1n,
           W2p, b2p, W2n, b2n, g1, be1, g2, be2):
    sc1_fn, sc2_fn = _sc_kernels()
    src = edge_index[0]
    dst = edge_index[1]
    zrows = jnp.zeros((R, 64), jnp.bfloat16)
    zcnt = jnp.zeros((R,), _F32)

    tab1, base1 = _tc1(x, W1p, W1n, b1p, b1n)
    psum, pcnt = sc1_fn(src, dst, edge_weight,
                      tab1.reshape(2 * NN, 64), zrows, zcnt)
    pcnt2 = pcnt.reshape(NC, R, 1)
    t2, base2 = _tc2(psum, psum, psum, psum, pcnt2, pcnt2, pcnt2, pcnt2,
                     base1, W2p, W2n, b2p, b2n, g1, be1)
    zrows_bf = jnp.zeros((R, 128), jnp.bfloat16)
    acc2 = sc2_fn(t2.reshape(2 * NN, 128), src, dst, edge_weight, zrows_bf)[0]
    out = _tc3(acc2, acc2, acc2, acc2,
               pcnt2, pcnt2, pcnt2, pcnt2, base2, g2, be2)
    return out

# --- scband reference (transcript-rebuilt; emitter-appended) ---
"""Pipeline reference for scband-sgcnencoder-65738769432887 (READ-ONLY COPY).

The authoritative reference and input builder live on the scoring server;
editing this copy changes nothing except your own understanding.
"""

import jax, jax.numpy as jnp
import numpy as np

N = 10000
E = 320000
IN_CH = 128
HID = 128
H2 = HID // 2


def _lin_init(k, fan_in, fan_out):
    lim = 1.0 / np.sqrt(fan_in)
    kw, kb = jax.random.split(k)
    W = jax.random.uniform(kw, (fan_in, fan_out), minval=-lim, maxval=lim, dtype=jnp.float32)
    b = jax.random.uniform(kb, (fan_out,), minval=-lim, maxval=lim, dtype=jnp.float32)
    return W, b


def setup_inputs(seed: int = 0):
    key = jax.random.key(seed)
    ks = jax.random.split(key, 8)
    x = jax.random.normal(ks[0], (N, IN_CH), dtype=jnp.float32)
    edge_index = jax.random.randint(ks[1], (2, E), 0, N, dtype=jnp.int32)
    edge_weight = jax.random.normal(ks[2], (E,), dtype=jnp.float32)
    W1p, b1p = _lin_init(ks[3], 2 * IN_CH, H2)
    W1n, b1n = _lin_init(ks[4], 2 * IN_CH, H2)
    W2p, b2p = _lin_init(ks[5], 3 * H2, H2)
    W2n, b2n = _lin_init(ks[6], 3 * H2, H2)
    g1 = jnp.ones((HID,), jnp.float32)
    be1 = jnp.zeros((HID,), jnp.float32)
    g2 = jnp.ones((HID,), jnp.float32)
    be2 = jnp.zeros((HID,), jnp.float32)
    return {"x": x, "edge_index": edge_index, "edge_weight": edge_weight,
            "W1p": W1p, "b1p": b1p, "W1n": W1n, "b1n": b1n,
            "W2p": W2p, "b2p": b2p, "W2n": W2n, "b2n": b2n,
            "g1": g1, "be1": be1, "g2": g2, "be2": be2}


def _mean_aggr(src_feat, dst, w, n):
    # masked mean aggregation over incoming edges (PyG scatter-mean with count clamp)
    s = jax.ops.segment_sum(src_feat * w[:, None], dst, num_segments=n)
    c = jax.ops.segment_sum(w, dst, num_segments=n)
    return s / jnp.maximum(c, 1.0)[:, None]


def _layer_norm(h, g, b):
    m = jnp.mean(h, axis=-1, keepdims=True)
    v = jnp.var(h, axis=-1, keepdims=True)
    return (h - m) / jnp.sqrt(v + 1e-5) * g + b


def reference(x, edge_index, edge_weight, W1p, b1p, W1n, b1n, W2p, b2p, W2n, b2n, g1, be1, g2, be2):
    n = x.shape[0]
    src = edge_index[0]
    dst = edge_index[1]
    pos_w = (edge_weight > 0).astype(jnp.float32)
    neg_w = (edge_weight < 0).astype(jnp.float32)

    # ---- SignedConv layer 1 (first_aggr=True), mean aggregation ----
    xs = x[src]
    agg_pos = _mean_aggr(xs, dst, pos_w, n)
    agg_neg = _mean_aggr(xs, dst, neg_w, n)
    out_pos = jnp.concatenate([agg_pos, x], axis=-1) @ W1p + b1p
    out_neg = jnp.concatenate([agg_neg, x], axis=-1) @ W1n + b1n
    h = jnp.concatenate([out_pos, out_neg], axis=-1)
    h = jax.nn.relu(h)
    h = _layer_norm(h, g1, be1)

    # ---- SignedConv layer 2 (first_aggr=False) ----
    f_in = h.shape[1] // 2
    hp = h[:, :f_in]
    hn = h[:, f_in:]
    hps = hp[src]
    hns = hn[src]
    a_pp = _mean_aggr(hps, dst, pos_w, n)  # pos part over pos edges
    a_nn = _mean_aggr(hns, dst, neg_w, n)  # neg part over neg edges
    out_pos = jnp.concatenate([a_pp, a_nn, hp], axis=-1) @ W2p + b2p
    a_np = _mean_aggr(hns, dst, pos_w, n)  # neg part over pos edges
    a_pn = _mean_aggr(hps, dst, neg_w, n)  # pos part over neg edges
    out_neg = jnp.concatenate([a_np, a_pn, hn], axis=-1) @ W2n + b2n
    h = jnp.concatenate([out_pos, out_neg], axis=-1)
    h = jax.nn.relu(h)
    h = _layer_norm(h, g2, be2)
    return h

if __name__ == "__main__":
    import jax
    _d = setup_inputs()
    print(jax.jit(kernel)(*tuple(_d.values())))

</pallas_src>

<mosaic_0001>
#map = affine_map<(d0, d1) -> (0)>
#map1 = affine_map<(d0, d1) -> (0, 0)>
#map2 = affine_map<(d0, d1) -> (0, 0, 0)>
module attributes {stable_mosaic.version = 14 : i64} {
  func.func @_sc1_body(%arg0: i32, %arg1: i32, %arg2: memref<320000xi32, #tpu.memory_space<hbm>>, %arg3: memref<320000xi32, #tpu.memory_space<hbm>>, %arg4: memref<320000xf32, #tpu.memory_space<hbm>>, %arg5: memref<20000x64xbf16, #tpu.memory_space<hbm>>, %arg6: memref<20480x64xbf16, #tpu.memory_space<hbm>>, %arg7: memref<20480xf32, #tpu.memory_space<hbm>>, %arg8: memref<2x20480x64xbf16, #tpu.memory_space<hbm>>, %arg9: memref<2x20480xf32, #tpu.memory_space<hbm>>, %arg10: memref<2000xi32, #tpu.memory_space<vmem>>, %arg11: memref<2000xi32, #tpu.memory_space<vmem>>, %arg12: memref<2000xf32, #tpu.memory_space<vmem>>, %arg13: memref<25x80xi32, #tpu.memory_space<vmem>>, %arg14: memref<25x80xi32, #tpu.memory_space<vmem>>, %arg15: memref<80x64xbf16, #tpu.memory_space<vmem>>, %arg16: memref<80x64xbf16, #tpu.memory_space<vmem>>, %arg17: memref<80xf32, #tpu.memory_space<vmem>>, %arg18: memref<20480x64xbf16, #tpu.memory_space<vmem_shared>>, %arg19: memref<20480xf32, #tpu.memory_space<vmem_shared>>, %arg20: memref<!tpu.dma_semaphore, #tpu.memory_space<semaphore_mem>>, %arg21: memref<!tpu.dma_semaphore, #tpu.memory_space<semaphore_mem>>) attributes {dimension_semantics = [#tpu.dimension_semantics<core_parallel>, #tpu.dimension_semantics<subcore_parallel>], iteration_bounds = array<i64: 2, 16>, scalar_prefetch = 0 : i64, scratch_operands = 12 : i64, tpu.core_type = #tpu.core_type<sc_vector_subcore>, window_params = [{transform_indices = #map}, {transform_indices = #map}, {transform_indices = #map}, {transform_indices = #map1}, {transform_indices = #map1}, {transform_indices = #map}, {transform_indices = #map2}, {transform_indices = #map1}]} {
    %mul3A = arith.constant 2 : i32
    %mul3A_0 = arith.muli %arg1, %mul3A : i32
    %add3A = arith.addi %mul3A_0, %arg0 : i32
    %mul3A_1 = arith.constant 1280 : i32
    %mul3A_2 = arith.muli %arg1, %mul3A_1 : i32
    "tpu.region"() ({
      %run_scoped3A = tpu.sem_alloc : memref<!tpu.dma_semaphore, #tpu.memory_space<semaphore_mem>>
      %dma_start3A = arith.constant 0 : i32
      %dma_start3A_39 = tpu.memref_slice %arg18[%mul3A_2, %dma_start3A] : memref<20480x64xbf16, #tpu.memory_space<vmem_shared>> -> memref<1280x64xbf16, #tpu.memory_space<vmem_shared>>
      %dma_start3A_40 = arith.constant 0 : i32
      %dma_start3A_41 = tpu.memref_slice %arg6[%mul3A_2, %dma_start3A_40] : memref<20480x64xbf16, #tpu.memory_space<hbm>> -> memref<1280x64xbf16, #tpu.memory_space<hbm>>
      tpu.enqueue_dma source(%dma_start3A_41 : memref<1280x64xbf16, #tpu.memory_space<hbm>>) target(%dma_start3A_39 : memref<1280x64xbf16, #tpu.memory_space<vmem_shared>>) target_semaphore(%run_scoped3A : memref<!tpu.dma_semaphore, #tpu.memory_space<semaphore_mem>>)
      %dma_wait3A = arith.constant 0 : i32
      %dma_wait3A_42 = tpu.memref_slice %arg18[%mul3A_2, %dma_wait3A] : memref<20480x64xbf16, #tpu.memory_space<vmem_shared>> -> memref<1280x64xbf16, #tpu.memory_space<vmem_shared>>
      %dma_wait3A_43 = arith.constant 0 : i32
      %dma_wait3A_44 = tpu.memref_slice %arg6[%mul3A_2, %dma_wait3A_43] : memref<20480x64xbf16, #tpu.memory_space<hbm>> -> memref<1280x64xbf16, #tpu.memory_space<hbm>>
      tpu.wait_dma2 semaphore(%run_scoped3A : memref<!tpu.dma_semaphore, #tpu.memory_space<semaphore_mem>>) src(%dma_wait3A_44 : memref<1280x64xbf16, #tpu.memory_space<hbm>>) dst(%dma_wait3A_42 : memref<1280x64xbf16, #tpu.memory_space<vmem_shared>>)
      tpu.yield
    }) : () -> ()
    "tpu.region"() ({
      %run_scoped3A = tpu.sem_alloc : memref<!tpu.dma_semaphore, #tpu.memory_space<semaphore_mem>>
      %dma_start3A = tpu.memref_slice %arg19[%mul3A_2] : memref<20480xf32, #tpu.memory_space<vmem_shared>> -> memref<1280xf32, #tpu.memory_space<vmem_shared>>
      %dma_start3A_39 = tpu.memref_slice %arg7[%mul3A_2] : memref<20480xf32, #tpu.memory_space<hbm>> -> memref<1280xf32, #tpu.memory_space<hbm>>
      tpu.enqueue_dma source(%dma_start3A_39 : memref<1280xf32, #tpu.memory_space<hbm>>) target(%dma_start3A : memref<1280xf32, #tpu.memory_space<vmem_shared>>) target_semaphore(%run_scoped3A : memref<!tpu.dma_semaphore, #tpu.memory_space<semaphore_mem>>)
      %dma_wait3A = tpu.memref_slice %arg19[%mul3A_2] : memref<20480xf32, #tpu.memory_space<vmem_shared>> -> memref<1280xf32, #tpu.memory_space<vmem_shared>>
      %dma_wait3A_40 = tpu.memref_slice %arg7[%mul3A_2] : memref<20480xf32, #tpu.memory_space<hbm>> -> memref<1280xf32, #tpu.memory_space<hbm>>
      tpu.wait_dma2 semaphore(%run_scoped3A : memref<!tpu.dma_semaphore, #tpu.memory_space<semaphore_mem>>) src(%dma_wait3A_40 : memref<1280xf32, #tpu.memory_space<hbm>>) dst(%dma_wait3A : memref<1280xf32, #tpu.memory_space<vmem_shared>>)
      tpu.yield
    }) : () -> ()
    %broadcast_in_dim3A = arith.constant 1.000000e+00 : f32
    %broadcast_in_dim3A_3 = vector.broadcast %broadcast_in_dim3A : f32 to vector<16xf32>
    %swap3A = arith.constant 0 : index
    %swap3A_4 = tpu.vector_load %arg17[%swap3A] {strides = array<i32>} : memref<80xf32, #tpu.memory_space<vmem>>, vector<16xf32>,
    %swap3A_5 = vector.shape_cast %swap3A_4 : vector<16xf32> to vector<16xf32>
    %swap3A_6 = vector.shape_cast %broadcast_in_dim3A_3 : vector<16xf32> to vector<16xf32>
    tpu.vector_store %arg17[%swap3A], %swap3A_6 {strides = array<i32>} : memref<80xf32, #tpu.memory_space<vmem>>, vector<16xf32>,
    %broadcast_in_dim3A_7 = arith.constant 1.000000e+00 : f32
    %broadcast_in_dim3A_8 = vector.broadcast %broadcast_in_dim3A_7 : f32 to vector<16xf32>
    %swap3A_9 = arith.constant 16 : index
    %swap3A_10 = tpu.vector_load %arg17[%swap3A_9] {strides = array<i32>} : memref<80xf32, #tpu.memory_space<vmem>>, vector<16xf32>,
    %swap3A_11 = vector.shape_cast %swap3A_10 : vector<16xf32> to vector<16xf32>
    %swap3A_12 = vector.shape_cast %broadcast_in_dim3A_8 : vector<16xf32> to vector<16xf32>
    tpu.vector_store %arg17[%swap3A_9], %swap3A_12 {strides = array<i32>} : memref<80xf32, #tpu.memory_space<vmem>>, vector<16xf32>,
    %broadcast_in_dim3A_13 = arith.constant 1.000000e+00 : f32
    %broadcast_in_dim3A_14 = vector.broadcast %broadcast_in_dim3A_13 : f32 to vector<16xf32>
    %swap3A_15 = arith.constant 32 : index
    %swap3A_16 = tpu.vector_load %arg17[%swap3A_15] {strides = array<i32>} : memref<80xf32, #tpu.memory_space<vmem>>, vector<16xf32>,
    %swap3A_17 = vector.shape_cast %swap3A_16 : vector<16xf32> to vector<16xf32>
    %swap3A_18 = vector.shape_cast %broadcast_in_dim3A_14 : vector<16xf32> to vector<16xf32>
    tpu.vector_store %arg17[%swap3A_15], %swap3A_18 {strides = array<i32>} : memref<80xf32, #tpu.memory_space<vmem>>, vector<16xf32>,
    %broadcast_in_dim3A_19 = arith.constant 1.000000e+00 : f32
    %broadcast_in_dim3A_20 = vector.broadcast %broadcast_in_dim3A_19 : f32 to vector<16xf32>
    %swap3A_21 = arith.constant 48 : index
    %swap3A_22 = tpu.vector_load %arg17[%swap3A_21] {strides = array<i32>} : memref<80xf32, #tpu.memory_space<vmem>>, vector<16xf32>,
    %swap3A_23 = vector.shape_cast %swap3A_22 : vector<16xf32> to vector<16xf32>
    %swap3A_24 = vector.shape_cast %broadcast_in_dim3A_20 : vector<16xf32> to vector<16xf32>
    tpu.vector_store %arg17[%swap3A_21], %swap3A_24 {strides = array<i32>} : memref<80xf32, #tpu.memory_space<vmem>>, vector<16xf32>,
    %broadcast_in_dim3A_25 = arith.constant 1.000000e+00 : f32
    %broadcast_in_dim3A_26 = vector.broadcast %broadcast_in_dim3A_25 : f32 to vector<16xf32>
    %swap3A_27 = arith.constant 64 : index
    %swap3A_28 = tpu.vector_load %arg17[%swap3A_27] {strides = array<i32>} : memref<80xf32, #tpu.memory_space<vmem>>, vector<16xf32>,
    %swap3A_29 = vector.shape_cast %swap3A_28 : vector<16xf32> to vector<16xf32>
    %swap3A_30 = vector.shape_cast %broadcast_in_dim3A_26 : vector<16xf32> to vector<16xf32>
    tpu.vector_store %arg17[%swap3A_27], %swap3A_30 {strides = array<i32>} : memref<80xf32, #tpu.memory_space<vmem>>, vector<16xf32>,
    %mul3A_31 = arith.constant 10000 : i32
    %mul3A_32 = arith.muli %add3A, %mul3A_31 : i32
    %barrier3A = arith.constant 0 : index
    tpu.barrier barrier_id(%barrier3A)
    %scan3A = arith.constant 0 : i32
    %scan3A_33 = arith.constant 0 : i32
    %scan3A_34 = arith.constant 5 : i32
    %scan3A_35 = arith.addi %scan3A_33, %scan3A_34 : i32
    %scan3A_36 = arith.constant 1 : i32
    scf.for %scan3A_39 = %scan3A_33 to %scan3A_35 step %scan3A_36  : i32 {
      %mul3A_40 = arith.constant 2000 : i32
      %mul3A_41 = arith.muli %scan3A_39, %mul3A_40 : i32
      %add3A_42 = arith.addi %mul3A_32, %mul3A_41 : i32
      "tpu.region"() ({
        %run_scoped3A_68 = tpu.sem_alloc : memref<!tpu.dma_semaphore, #tpu.memory_space<semaphore_mem>>
        %dma_start3A_69 = tpu.memref_slice %arg2[%add3A_42] : memref<320000xi32, #tpu.memory_space<hbm>> -> memref<2000xi32, #tpu.memory_space<hbm>>
        %dma_start3A_70 = tpu.memref_slice %arg2[%add3A_42] : memref<320000xi32, #tpu.memory_space<hbm>> -> memref<2000xi32, #tpu.memory_space<hbm>>
        tpu.enqueue_dma source(%dma_start3A_70 : memref<2000xi32, #tpu.memory_space<hbm>>) target(%arg10 : memref<2000xi32, #tpu.memory_space<vmem>>) target_semaphore(%run_scoped3A_68 : memref<!tpu.dma_semaphore, #tpu.memory_space<semaphore_mem>>)
        %dma_wait3A_71 = tpu.memref_slice %arg2[%add3A_42] : memref<320000xi32, #tpu.memory_space<hbm>> -> memref<2000xi32, #tpu.memory_space<hbm>>
        %dma_wait3A_72 = tpu.memref_slice %arg2[%add3A_42] : memref<320000xi32, #tpu.memory_space<hbm>> -> memref<2000xi32, #tpu.memory_space<hbm>>
        tpu.wait_dma2 semaphore(%run_scoped3A_68 : memref<!tpu.dma_semaphore, #tpu.memory_space<semaphore_mem>>) src(%dma_wait3A_72 : memref<2000xi32, #tpu.memory_space<hbm>>) dst(%arg10 : memref<2000xi32, #tpu.memory_space<vmem>>)
        tpu.yield
      }) : () -> ()
      "tpu.region"() ({
        %run_scoped3A_68 = tpu.sem_alloc : memref<!tpu.dma_semaphore, #tpu.memory_space<semaphore_mem>>
        %dma_start3A_69 = tpu.memref_slice %arg3[%add3A_42] : memref<320000xi32, #tpu.memory_space<hbm>> -> memref<2000xi32, #tpu.memory_space<hbm>>
        %dma_start3A_70 = tpu.memref_slice %arg3[%add3A_42] : memref<320000xi32, #tpu.memory_space<hbm>> -> memref<2000xi32, #tpu.memory_space<hbm>>
        tpu.enqueue_dma source(%dma_start3A_70 : memref<2000xi32, #tpu.memory_space<hbm>>) target(%arg11 : memref<2000xi32, #tpu.memory_space<vmem>>) target_semaphore(%run_scoped3A_68 : memref<!tpu.dma_semaphore, #tpu.memory_space<semaphore_mem>>)
        %dma_wait3A_71 = tpu.memref_slice %arg3[%add3A_42] : memref<320000xi32, #tpu.memory_space<hbm>> -> memref<2000xi32, #tpu.memory_space<hbm>>
        %dma_wait3A_72 = tpu.memref_slice %arg3[%add3A_42] : memref<320000xi32, #tpu.memory_space<hbm>> -> memref<2000xi32, #tpu.memory_space<hbm>>
        tpu.wait_dma2 semaphore(%run_scoped3A_68 : memref<!tpu.dma_semaphore, #tpu.memory_space<semaphore_mem>>) src(%dma_wait3A_72 : memref<2000xi32, #tpu.memory_space<hbm>>) dst(%arg11 : memref<2000xi32, #tpu.memory_space<vmem>>)
        tpu.yield
      }) : () -> ()
      "tpu.region"() ({
        %run_scoped3A_68 = tpu.sem_alloc : memref<!tpu.dma_semaphore, #tpu.memory_space<semaphore_mem>>
        %dma_start3A_69 = tpu.memref_slice %arg4[%add3A_42] : memref<320000xf32, #tpu.memory_space<hbm>> -> memref<2000xf32, #tpu.memory_space<hbm>>
        %dma_start3A_70 = tpu.memref_slice %arg4[%add3A_42] : memref<320000xf32, #tpu.memory_space<hbm>> -> memref<2000xf32, #tpu.memory_space<hbm>>
        tpu.enqueue_dma source(%dma_start3A_70 : memref<2000xf32, #tpu.memory_space<hbm>>) target(%arg12 : memref<2000xf32, #tpu.memory_space<vmem>>) target_semaphore(%run_scoped3A_68 : memref<!tpu.dma_semaphore, #tpu.memory_space<semaphore_mem>>)
        %dma_wait3A_71 = tpu.memref_slice %arg4[%add3A_42] : memref<320000xf32, #tpu.memory_space<hbm>> -> memref<2000xf32, #tpu.memory_space<hbm>>
        %dma_wait3A_72 = tpu.memref_slice %arg4[%add3A_42] : memref<320000xf32, #tpu.memory_space<hbm>> -> memref<2000xf32, #tpu.memory_space<hbm>>
        tpu.wait_dma2 semaphore(%run_scoped3A_68 : memref<!tpu.dma_semaphore, #tpu.memory_space<semaphore_mem>>) src(%dma_wait3A_72 : memref<2000xf32, #tpu.memory_space<hbm>>) dst(%arg12 : memref<2000xf32, #tpu.memory_space<vmem>>)
        tpu.yield
      }) : () -> ()
      %scan3A_43 = arith.constant 0 : i32
      %scan3A_44 = arith.constant 0 : i32
      %scan3A_45 = arith.constant 125 : i32
      %scan3A_46 = arith.addi %scan3A_44, %scan3A_45 : i32
      %scan3A_47 = arith.constant 1 : i32
      scf.for %scan3A_68 = %scan3A_44 to %scan3A_46 step %scan3A_47  : i32 {
        %jit3A = arith.constant 5 : i32
        %div3A = arith.divsi %scan3A_68, %jit3A : i32
        %sign3A = arith.constant 0 : i32
        %sign3A_69 = arith.cmpi sgt, %scan3A_68, %sign3A : i32
        %sign3A_70 = arith.extui %sign3A_69 : i1 to i32
        %sign3A_71 = arith.constant 0 : i32
        %sign3A_72 = arith.cmpi slt, %scan3A_68, %sign3A_71 : i32
        %sign3A_73 = arith.extui %sign3A_72 : i1 to i32
        %sign3A_74 = arith.subi %sign3A_70, %sign3A_73 : i32
        %sign3A_75 = arith.constant 0 : i32
        %sign3A_76 = arith.cmpi sgt, %jit3A, %sign3A_75 : i32
        %sign3A_77 = arith.extui %sign3A_76 : i1 to i32
        %sign3A_78 = arith.constant 0 : i32
        %sign3A_79 = arith.cmpi slt, %jit3A, %sign3A_78 : i32
        %sign3A_80 = arith.extui %sign3A_79 : i1 to i32
        %sign3A_81 = arith.subi %sign3A_77, %sign3A_80 : i32
        %ne3A = arith.cmpi ne, %sign3A_74, %sign3A_81 : i32
        %rem3A = arith.remsi %scan3A_68, %jit3A : i32
        %ne3A_82 = arith.constant 0 : i32
        %ne3A_83 = arith.cmpi ne, %rem3A, %ne3A_82 : i32
        %and3A = arith.andi %ne3A, %ne3A_83 : i1
        %sub3A = arith.constant 1 : i32
        %sub3A_84 = arith.subi %div3A, %sub3A : i32
        %select_n3A = arith.select %and3A, %sub3A_84, %div3A : i32
        %jit3A_85 = arith.constant 5 : i32
        %eq3A = arith.constant 0 : i32
        %eq3A_86 = arith.cmpi eq, %jit3A_85, %eq3A : i32
        %jit3A_87 = arith.constant 1 : i32
        %select_n3A_88 = arith.select %eq3A_86, %jit3A_87, %jit3A_85 : i32
        %rem3A_89 = arith.remsi %scan3A_68, %select_n3A_88 : i32
        %ne3A_90 = arith.constant 0 : i32
        %ne3A_91 = arith.cmpi ne, %rem3A_89, %ne3A_90 : i32
        %lt3A = arith.constant 0 : i32
        %lt3A_92 = arith.cmpi slt, %rem3A_89, %lt3A : i32
        %lt3A_93 = arith.constant 0 : i32
        %lt3A_94 = arith.cmpi slt, %select_n3A_88, %lt3A_93 : i32
        %ne3A_95 = arith.xori %lt3A_92, %lt3A_94 : i1
        %and3A_96 = arith.andi %ne3A_95, %ne3A_91 : i1
        %add3A_97 = arith.addi %rem3A_89, %select_n3A_88 : i32
        %select_n3A_98 = arith.select %and3A_96, %add3A_97, %rem3A_89 : i32
        %mul3A_99 = arith.constant 16 : i32
        %mul3A_100 = arith.muli %scan3A_68, %mul3A_99 : i32
        %get3A = arith.index_cast %mul3A_100 : i32 to index
        %get3A_101 = tpu.vector_load %arg10[%get3A] {strides = array<i32>} : memref<2000xi32, #tpu.memory_space<vmem>>, vector<16xi32>,
        %get3A_102 = vector.shape_cast %get3A_101 : vector<16xi32> to vector<16xi32>
        %get3A_103 = arith.index_cast %mul3A_100 : i32 to index
        %get3A_104 = tpu.vector_load %arg11[%get3A_103] {strides = array<i32>} : memref<2000xi32, #tpu.memory_space<vmem>>, vector<16xi32>,
        %get3A_105 = vector.shape_cast %get3A_104 : vector<16xi32> to vector<16xi32>
        %get3A_106 = arith.index_cast %mul3A_100 : i32 to index
        %get3A_107 = tpu.vector_load %arg12[%get3A_106] {strides = array<i32>} : memref<2000xf32, #tpu.memory_space<vmem>>, vector<16xf32>,
        %get3A_108 = vector.shape_cast %get3A_107 : vector<16xf32> to vector<16xf32>
        %lt3A_109 = arith.constant 0.000000e+00 : f32
        %lt3A_110 = vector.broadcast %lt3A_109 : f32 to vector<16xf32>
        %lt3A_111 = arith.cmpf olt, %get3A_108, %lt3A_110 : vector<16xf32>
        %jit3A_112 = arith.constant 10000 : i32
        %jit3A_113 = arith.constant 0 : i32
        %broadcast_in_dim3A_114 = vector.broadcast %jit3A_112 : i32 to vector<16xi32>
        %broadcast_in_dim3A_115 = vector.broadcast %jit3A_113 : i32 to vector<16xi32>
        %select_n3A_116 = arith.select %lt3A_111, %broadcast_in_dim3A_114, %broadcast_in_dim3A_115 : vector<16xi1>, vector<16xi32>
        %add3A_117 = arith.addi %get3A_102, %select_n3A_116 : vector<16xi32>
        %add3A_118 = arith.constant 0 : i32
        %add3A_119 = vector.broadcast %add3A_118 : i32 to vector<16xi32>
        %add3A_120 = arith.addi %add3A_117, %add3A_119 : vector<16xi32>
        %mul3A_121 = arith.constant 16 : i32
        %mul3A_122 = arith.muli %select_n3A_98, %mul3A_121 : i32
        %swap3A_123 = arith.index_cast %select_n3A : i32 to index
        %swap3A_124 = arith.index_cast %mul3A_122 : i32 to index
        %swap3A_125 = tpu.vector_load %arg13[%swap3A_123, %swap3A_124] {strides = array<i32>} : memref<25x80xi32, #tpu.memory_space<vmem>>, vector<1x16xi32>,
        %swap3A_126 = vector.shape_cast %swap3A_125 : vector<1x16xi32> to vector<16xi32>
        %swap3A_127 = vector.shape_cast %add3A_120 : vector<16xi32> to vector<1x16xi32>
        tpu.vector_store %arg13[%swap3A_123, %swap3A_124], %swap3A_127 {strides = array<i32>} : memref<25x80xi32, #tpu.memory_space<vmem>>, vector<1x16xi32>,
        %eq3A_128 = arith.constant 0.000000e+00 : f32
        %eq3A_129 = vector.broadcast %eq3A_128 : f32 to vector<16xf32>
        %eq3A_130 = arith.cmpf oeq, %get3A_108, %eq3A_129 : vector<16xf32>
        %add3A_131 = arith.addi %get3A_105, %select_n3A_116 : vector<16xi32>
        %jit3A_132 = arith.constant 20000 : i32
        %broadcast_in_dim3A_133 = vector.broadcast %jit3A_132 : i32 to vector<16xi32>
        %select_n3A_134 = arith.select %eq3A_130, %broadcast_in_dim3A_133, %add3A_131 : vector<16xi1>, vector<16xi32>
        %mul3A_135 = arith.constant 16 : i32
        %mul3A_136 = arith.muli %select_n3A_98, %mul3A_135 : i32
        %swap3A_137 = arith.index_cast %select_n3A : i32 to index
        %swap3A_138 = arith.index_cast %mul3A_136 : i32 to index
        %swap3A_139 = tpu.vector_load %arg14[%swap3A_137, %swap3A_138] {strides = array<i32>} : memref<25x80xi32, #tpu.memory_space<vmem>>, vector<1x16xi32>,
        %swap3A_140 = vector.shape_cast %swap3A_139 : vector<1x16xi32> to vector<16xi32>
        %swap3A_141 = vector.shape_cast %select_n3A_134 : vector<16xi32> to vector<1x16xi32>
        tpu.vector_store %arg14[%swap3A_137, %swap3A_138], %swap3A_141 {strides = array<i32>} : memref<25x80xi32, #tpu.memory_space<vmem>>, vector<1x16xi32>,
      }
      %scan3A_48 = arith.constant 125 : i32
      %dma_start3A = arith.constant 0 : i32
      %dma_start3A_49 = arith.constant 0 : i32
      %dma_start3A_50 = tpu.memref_slice %arg13[%dma_start3A, %dma_start3A_49] : memref<25x80xi32, #tpu.memory_space<vmem>> -> memref<1x80xi32, #tpu.memory_space<vmem>>
      %dma_start3A_51 = tpu.memref_squeeze %dma_start3A_50 : memref<1x80xi32, #tpu.memory_space<vmem>> -> memref<80xi32, #tpu.memory_space<vmem>>
      %dma_start3A_52 = arith.constant 0 : i32
      %dma_start3A_53 = arith.constant 0 : i32
      %dma_start3A_54 = tpu.memref_slice %arg5[%dma_start3A_52, %dma_start3A_53] : memref<20000x64xbf16, #tpu.memory_space<hbm>> -> memref<20000x64xbf16, #tpu.memory_space<hbm>>
      tpu.enqueue_indirect_dma source(%dma_start3A_54 : memref<20000x64xbf16, #tpu.memory_space<hbm>>) target(%arg15 : memref<80x64xbf16, #tpu.memory_space<vmem>>) offsets(%dma_start3A_51 : memref<80xi32, #tpu.memory_space<vmem>>) semaphore(%arg20 : memref<!tpu.dma_semaphore, #tpu.memory_space<semaphore_mem>>)
      %scan3A_55 = arith.constant 0 : i32
      %scan3A_56 = arith.constant 0 : i32
      %scan3A_57 = arith.constant 12 : i32
      %scan3A_58 = arith.addi %scan3A_56, %scan3A_57 : i32
      %scan3A_59 = arith.constant 1 : i32
      scf.for %scan3A_68 = %scan3A_56 to %scan3A_58 step %scan3A_59  : i32 {
        %mul3A_69 = arith.constant 2 : i32
        %mul3A_70 = arith.muli %mul3A_69, %scan3A_68 : i32
        %dma_wait3A_71 = arith.constant 0 : i32
        %dma_wait3A_72 = tpu.memref_slice %arg13[%mul3A_70, %dma_wait3A_71] : memref<25x80xi32, #tpu.memory_space<vmem>> -> memref<1x80xi32, #tpu.memory_space<vmem>>
        %dma_wait3A_73 = tpu.memref_squeeze %dma_wait3A_72 : memref<1x80xi32, #tpu.memory_space<vmem>> -> memref<80xi32, #tpu.memory_space<vmem>>
        %dma_wait3A_74 = arith.constant 0 : i32
        %dma_wait3A_75 = arith.constant 0 : i32
        %dma_wait3A_76 = tpu.memref_slice %arg5[%dma_wait3A_74, %dma_wait3A_75] : memref<20000x64xbf16, #tpu.memory_space<hbm>> -> memref<20000x64xbf16, #tpu.memory_space<hbm>>
        tpu.wait_indirect_dma semaphore(%arg20 : memref<!tpu.dma_semaphore, #tpu.memory_space<semaphore_mem>>) src(%dma_wait3A_76 : memref<20000x64xbf16, #tpu.memory_space<hbm>>) dst(%arg15 : memref<80x64xbf16, #tpu.memory_space<vmem>>)
        %add3A_77 = arith.constant 1 : i32
        %add3A_78 = arith.addi %mul3A_70, %add3A_77 : i32
        %dma_start3A_79 = arith.constant 0 : i32
        %dma_start3A_80 = tpu.memref_slice %arg13[%add3A_78, %dma_start3A_79] : memref<25x80xi32, #tpu.memory_space<vmem>> -> memref<1x80xi32, #tpu.memory_space<vmem>>
        %dma_start3A_81 = tpu.memref_squeeze %dma_start3A_80 : memref<1x80xi32, #tpu.memory_space<vmem>> -> memref<80xi32, #tpu.memory_space<vmem>>
        %dma_start3A_82 = arith.constant 0 : i32
        %dma_start3A_83 = arith.constant 0 : i32
        %dma_start3A_84 = tpu.memref_slice %arg5[%dma_start3A_82, %dma_start3A_83] : memref<20000x64xbf16, #tpu.memory_space<hbm>> -> memref<20000x64xbf16, #tpu.memory_space<hbm>>
        tpu.enqueue_indirect_dma source(%dma_start3A_84 : memref<20000x64xbf16, #tpu.memory_space<hbm>>) target(%arg16 : memref<80x64xbf16, #tpu.memory_space<vmem>>) offsets(%dma_start3A_81 : memref<80xi32, #tpu.memory_space<vmem>>) semaphore(%arg21 : memref<!tpu.dma_semaphore, #tpu.memory_space<semaphore_mem>>)
        "tpu.region"() ({
          %run_scoped3A_105 = tpu.sem_alloc : memref<!tpu.dma_semaphore, #tpu.memory_space<semaphore_mem>>
          %dma_start3A_106 = arith.constant 0 : i32
          %dma_start3A_107 = tpu.memref_slice %arg14[%mul3A_70, %dma_start3A_106] : memref<25x80xi32, #tpu.memory_space<vmem>> -> memref<1x80xi32, #tpu.memory_space<vmem>>
          %dma_start3A_108 = tpu.memref_squeeze %dma_start3A_107 : memref<1x80xi32, #tpu.memory_space<vmem>> -> memref<80xi32, #tpu.memory_space<vmem>>
          %dma_start3A_109 = arith.constant 0 : i32
          %dma_start3A_110 = arith.constant 0 : i32
          %dma_start3A_111 = tpu.memref_slice %arg18[%dma_start3A_109, %dma_start3A_110] : memref<20480x64xbf16, #tpu.memory_space<vmem_shared>> -> memref<20480x64xbf16, #tpu.memory_space<vmem_shared>>
          tpu.enqueue_indirect_dma source(%arg15 : memref<80x64xbf16, #tpu.memory_space<vmem>>) target(%dma_start3A_111 : memref<20480x64xbf16, #tpu.memory_space<vmem_shared>>) offsets(%dma_start3A_108 : memref<80xi32, #tpu.memory_space<vmem>>) semaphore(%run_scoped3A_105 : memref<!tpu.dma_semaphore, #tpu.memory_space<semaphore_mem>>) {add = true}
          %dma_wait3A_112 = arith.constant 0 : i32
          %dma_wait3A_113 = tpu.memref_slice %arg14[%mul3A_70, %dma_wait3A_112] : memref<25x80xi32, #tpu.memory_space<vmem>> -> memref<1x80xi32, #tpu.memory_space<vmem>>
          %dma_wait3A_114 = tpu.memref_squeeze %dma_wait3A_113 : memref<1x80xi32, #tpu.memory_space<vmem>> -> memref<80xi32, #tpu.memory_space<vmem>>
          %dma_wait3A_115 = arith.constant 0 : i32
          %dma_wait3A_116 = arith.constant 0 : i32
          %dma_wait3A_117 = tpu.memref_slice %arg18[%dma_wait3A_115, %dma_wait3A_116] : memref<20480x64xbf16, #tpu.memory_space<vmem_shared>> -> memref<20480x64xbf16, #tpu.memory_space<vmem_shared>>
          tpu.wait_indirect_dma semaphore(%run_scoped3A_105 : memref<!tpu.dma_semaphore, #tpu.memory_space<semaphore_mem>>) src(%arg15 : memref<80x64xbf16, #tpu.memory_space<vmem>>) dst(%dma_wait3A_117 : memref<20480x64xbf16, #tpu.memory_space<vmem_shared>>)
          tpu.yield
        }) : () -> ()
        "tpu.region"() ({
          %run_scoped3A_105 = tpu.sem_alloc : memref<!tpu.dma_semaphore, #tpu.memory_space<semaphore_mem>>
          %dma_start3A_106 = arith.constant 0 : i32
          %dma_start3A_107 = tpu.memref_slice %arg14[%mul3A_70, %dma_start3A_106] : memref<25x80xi32, #tpu.memory_space<vmem>> -> memref<1x80xi32, #tpu.memory_space<vmem>>
          %dma_start3A_108 = tpu.memref_squeeze %dma_start3A_107 : memref<1x80xi32, #tpu.memory_space<vmem>> -> memref<80xi32, #tpu.memory_space<vmem>>
          %dma_start3A_109 = arith.constant 0 : i32
          %dma_start3A_110 = tpu.memref_slice %arg19[%dma_start3A_109] : memref<20480xf32, #tpu.memory_space<vmem_shared>> -> memref<20480xf32, #tpu.memory_space<vmem_shared>>
          tpu.enqueue_indirect_dma source(%arg17 : memref<80xf32, #tpu.memory_space<vmem>>) target(%dma_start3A_110 : memref<20480xf32, #tpu.memory_space<vmem_shared>>) offsets(%dma_start3A_108 : memref<80xi32, #tpu.memory_space<vmem>>) semaphore(%run_scoped3A_105 : memref<!tpu.dma_semaphore, #tpu.memory_space<semaphore_mem>>) {add = true}
          %dma_wait3A_111 = arith.constant 0 : i32
          %dma_wait3A_112 = tpu.memref_slice %arg14[%mul3A_70, %dma_wait3A_111] : memref<25x80xi32, #tpu.memory_space<vmem>> -> memref<1x80xi32, #tpu.memory_space<vmem>>
          %dma_wait3A_113 = tpu.memref_squeeze %dma_wait3A_112 : memref<1x80xi32, #tpu.memory_space<vmem>> -> memref<80xi32, #tpu.memory_space<vmem>>
          %dma_wait3A_114 = arith.constant 0 : i32
          %dma_wait3A_115 = tpu.memref_slice %arg19[%dma_wait3A_114] : memref<20480xf32, #tpu.memory_space<vmem_shared>> -> memref<20480xf32, #tpu.memory_space<vmem_shared>>
          tpu.wait_indirect_dma semaphore(%run_scoped3A_105 : memref<!tpu.dma_semaphore, #tpu.memory_space<semaphore_mem>>) src(%arg17 : memref<80xf32, #tpu.memory_space<vmem>>) dst(%dma_wait3A_115 : memref<20480xf32, #tpu.memory_space<vmem_shared>>)
          tpu.yield
        }) : () -> ()
        %add3A_85 = arith.constant 1 : i32
        %add3A_86 = arith.addi %mul3A_70, %add3A_85 : i32
        %dma_wait3A_87 = arith.constant 0 : i32
        %dma_wait3A_88 = tpu.memref_slice %arg13[%add3A_86, %dma_wait3A_87] : memref<25x80xi32, #tpu.memory_space<vmem>> -> memref<1x80xi32, #tpu.memory_space<vmem>>
        %dma_wait3A_89 = tpu.memref_squeeze %dma_wait3A_88 : memref<1x80xi32, #tpu.memory_space<vmem>> -> memref<80xi32, #tpu.memory_space<vmem>>
        %dma_wait3A_90 = arith.constant 0 : i32
        %dma_wait3A_91 = arith.constant 0 : i32
        %dma_wait3A_92 = tpu.memref_slice %arg5[%dma_wait3A_90, %dma_wait3A_91] : memref<20000x64xbf16, #tpu.memory_space<hbm>> -> memref<20000x64xbf16, #tpu.memory_space<hbm>>
        tpu.wait_indirect_dma semaphore(%arg21 : memref<!tpu.dma_semaphore, #tpu.memory_space<semaphore_mem>>) src(%dma_wait3A_92 : memref<20000x64xbf16, #tpu.memory_space<hbm>>) dst(%arg16 : memref<80x64xbf16, #tpu.memory_space<vmem>>)
        %add3A_93 = arith.constant 2 : i32
        %add3A_94 = arith.addi %mul3A_70, %add3A_93 : i32
        %dma_start3A_95 = arith.constant 0 : i32
        %dma_start3A_96 = tpu.memref_slice %arg13[%add3A_94, %dma_start3A_95] : memref<25x80xi32, #tpu.memory_space<vmem>> -> memref<1x80xi32, #tpu.memory_space<vmem>>
        %dma_start3A_97 = tpu.memref_squeeze %dma_start3A_96 : memref<1x80xi32, #tpu.memory_space<vmem>> -> memref<80xi32, #tpu.memory_space<vmem>>
        %dma_start3A_98 = arith.constant 0 : i32
        %dma_start3A_99 = arith.constant 0 : i32
        %dma_start3A_100 = tpu.memref_slice %arg5[%dma_start3A_98, %dma_start3A_99] : memref<20000x64xbf16, #tpu.memory_space<hbm>> -> memref<20000x64xbf16, #tpu.memory_space<hbm>>
        tpu.enqueue_indirect_dma source(%dma_start3A_100 : memref<20000x64xbf16, #tpu.memory_space<hbm>>) target(%arg15 : memref<80x64xbf16, #tpu.memory_space<vmem>>) offsets(%dma_start3A_97 : memref<80xi32, #tpu.memory_space<vmem>>) semaphore(%arg20 : memref<!tpu.dma_semaphore, #tpu.memory_space<semaphore_mem>>)
        %add3A_101 = arith.constant 1 : i32
        %add3A_102 = arith.addi %mul3A_70, %add3A_101 : i32
        "tpu.region"() ({
          %run_scoped3A_105 = tpu.sem_alloc : memref<!tpu.dma_semaphore, #tpu.memory_space<semaphore_mem>>
          %dma_start3A_106 = arith.constant 0 : i32
          %dma_start3A_107 = tpu.memref_slice %arg14[%add3A_102, %dma_start3A_106] : memref<25x80xi32, #tpu.memory_space<vmem>> -> memref<1x80xi32, #tpu.memory_space<vmem>>
          %dma_start3A_108 = tpu.memref_squeeze %dma_start3A_107 : memref<1x80xi32, #tpu.memory_space<vmem>> -> memref<80xi32, #tpu.memory_space<vmem>>
          %dma_start3A_109 = arith.constant 0 : i32
          %dma_start3A_110 = arith.constant 0 : i32
          %dma_start3A_111 = tpu.memref_slice %arg18[%dma_start3A_109, %dma_start3A_110] : memref<20480x64xbf16, #tpu.memory_space<vmem_shared>> -> memref<20480x64xbf16, #tpu.memory_space<vmem_shared>>
          tpu.enqueue_indirect_dma source(%arg16 : memref<80x64xbf16, #tpu.memory_space<vmem>>) target(%dma_start3A_111 : memref<20480x64xbf16, #tpu.memory_space<vmem_shared>>) offsets(%dma_start3A_108 : memref<80xi32, #tpu.memory_space<vmem>>) semaphore(%run_scoped3A_105 : memref<!tpu.dma_semaphore, #tpu.memory_space<semaphore_mem>>) {add = true}
          %dma_wait3A_112 = arith.constant 0 : i32
          %dma_wait3A_113 = tpu.memref_slice %arg14[%add3A_102, %dma_wait3A_112] : memref<25x80xi32, #tpu.memory_space<vmem>> -> memref<1x80xi32, #tpu.memory_space<vmem>>
          %dma_wait3A_114 = tpu.memref_squeeze %dma_wait3A_113 : memref<1x80xi32, #tpu.memory_space<vmem>> -> memref<80xi32, #tpu.memory_space<vmem>>
          %dma_wait3A_115 = arith.constant 0 : i32
          %dma_wait3A_116 = arith.constant 0 : i32
          %dma_wait3A_117 = tpu.memref_slice %arg18[%dma_wait3A_115, %dma_wait3A_116] : memref<20480x64xbf16, #tpu.memory_space<vmem_shared>> -> memref<20480x64xbf16, #tpu.memory_space<vmem_shared>>
          tpu.wait_indirect_dma semaphore(%run_scoped3A_105 : memref<!tpu.dma_semaphore, #tpu.memory_space<semaphore_mem>>) src(%arg16 : memref<80x64xbf16, #tpu.memory_space<vmem>>) dst(%dma_wait3A_117 : memref<20480x64xbf16, #tpu.memory_space<vmem_shared>>)
          tpu.yield
        }) : () -> ()
        %add3A_103 = arith.constant 1 : i32
        %add3A_104 = arith.addi %mul3A_70, %add3A_103 : i32
        "tpu.region"() ({
          %run_scoped3A_105 = tpu.sem_alloc : memref<!tpu.dma_semaphore, #tpu.memory_space<semaphore_mem>>
          %dma_start3A_106 = arith.constant 0 : i32
          %dma_start3A_107 = tpu.memref_slice %arg14[%add3A_104, %dma_start3A_106] : memref<25x80xi32, #tpu.memory_space<vmem>> -> memref<1x80xi32, #tpu.memory_space<vmem>>
          %dma_start3A_108 = tpu.memref_squeeze %dma_start3A_107 : memref<1x80xi32, #tpu.memory_space<vmem>> -> memref<80xi32, #tpu.memory_space<vmem>>
          %dma_start3A_109 = arith.constant 0 : i32
          %dma_start3A_110 = tpu.memref_slice %arg19[%dma_start3A_109] : memref<20480xf32, #tpu.memory_space<vmem_shared>> -> memref<20480xf32, #tpu.memory_space<vmem_shared>>
          tpu.enqueue_indirect_dma source(%arg17 : memref<80xf32, #tpu.memory_space<vmem>>) target(%dma_start3A_110 : memref<20480xf32, #tpu.memory_space<vmem_shared>>) offsets(%dma_start3A_108 : memref<80xi32, #tpu.memory_space<vmem>>) semaphore(%run_scoped3A_105 : memref<!tpu.dma_semaphore, #tpu.memory_space<semaphore_mem>>) {add = true}
          %dma_wait3A_111 = arith.constant 0 : i32
          %dma_wait3A_112 = tpu.memref_slice %arg14[%add3A_104, %dma_wait3A_111] : memref<25x80xi32, #tpu.memory_space<vmem>> -> memref<1x80xi32, #tpu.memory_space<vmem>>
          %dma_wait3A_113 = tpu.memref_squeeze %dma_wait3A_112 : memref<1x80xi32, #tpu.memory_space<vmem>> -> memref<80xi32, #tpu.memory_space<vmem>>
          %dma_wait3A_114 = arith.constant 0 : i32
          %dma_wait3A_115 = tpu.memref_slice %arg19[%dma_wait3A_114] : memref<20480xf32, #tpu.memory_space<vmem_shared>> -> memref<20480xf32, #tpu.memory_space<vmem_shared>>
          tpu.wait_indirect_dma semaphore(%run_scoped3A_105 : memref<!tpu.dma_semaphore, #tpu.memory_space<semaphore_mem>>) src(%arg17 : memref<80xf32, #tpu.memory_space<vmem>>) dst(%dma_wait3A_115 : memref<20480xf32, #tpu.memory_space<vmem_shared>>)
          tpu.yield
        }) : () -> ()
      }
      %scan3A_60 = arith.constant 12 : i32
      %dma_wait3A = arith.constant 24 : i32
      %dma_wait3A_61 = arith.constant 0 : i32
      %dma_wait3A_62 = tpu.memref_slice %arg13[%dma_wait3A, %dma_wait3A_61] : memref<25x80xi32, #tpu.memory_space<vmem>> -> memref<1x80xi32, #tpu.memory_space<vmem>>
      %dma_wait3A_63 = tpu.memref_squeeze %dma_wait3A_62 : memref<1x80xi32, #tpu.memory_space<vmem>> -> memref<80xi32, #tpu.memory_space<vmem>>
      %dma_wait3A_64 = arith.constant 0 : i32
      %dma_wait3A_65 = arith.constant 0 : i32
      %dma_wait3A_66 = tpu.memref_slice %arg5[%dma_wait3A_64, %dma_wait3A_65] : memref<20000x64xbf16, #tpu.memory_space<hbm>> -> memref<20000x64xbf16, #tpu.memory_space<hbm>>
      tpu.wait_indirect_dma semaphore(%arg20 : memref<!tpu.dma_semaphore, #tpu.memory_space<semaphore_mem>>) src(%dma_wait3A_66 : memref<20000x64xbf16, #tpu.memory_space<hbm>>) dst(%arg15 : memref<80x64xbf16, #tpu.memory_space<vmem>>)
      %run_scoped3A = arith.constant 24 : i32
      "tpu.region"() ({
        %run_scoped3A_68 = tpu.sem_alloc : memref<!tpu.dma_semaphore, #tpu.memory_space<semaphore_mem>>
        %dma_start3A_69 = arith.constant 0 : i32
        %dma_start3A_70 = tpu.memref_slice %arg14[%run_scoped3A, %dma_start3A_69] : memref<25x80xi32, #tpu.memory_space<vmem>> -> memref<1x80xi32, #tpu.memory_space<vmem>>
        %dma_start3A_71 = tpu.memref_squeeze %dma_start3A_70 : memref<1x80xi32, #tpu.memory_space<vmem>> -> memref<80xi32, #tpu.memory_space<vmem>>
        %dma_start3A_72 = arith.constant 0 : i32
        %dma_start3A_73 = arith.constant 0 : i32
        %dma_start3A_74 = tpu.memref_slice %arg18[%dma_start3A_72, %dma_start3A_73] : memref<20480x64xbf16, #tpu.memory_space<vmem_shared>> -> memref<20480x64xbf16, #tpu.memory_space<vmem_shared>>
        tpu.enqueue_indirect_dma source(%arg15 : memref<80x64xbf16, #tpu.memory_space<vmem>>) target(%dma_start3A_74 : memref<20480x64xbf16, #tpu.memory_space<vmem_shared>>) offsets(%dma_start3A_71 : memref<80xi32, #tpu.memory_space<vmem>>) semaphore(%run_scoped3A_68 : memref<!tpu.dma_semaphore, #tpu.memory_space<semaphore_mem>>) {add = true}
        %dma_wait3A_75 = arith.constant 0 : i32
        %dma_wait3A_76 = tpu.memref_slice %arg14[%run_scoped3A, %dma_wait3A_75] : memref<25x80xi32, #tpu.memory_space<vmem>> -> memref<1x80xi32, #tpu.memory_space<vmem>>
        %dma_wait3A_77 = tpu.memref_squeeze %dma_wait3A_76 : memref<1x80xi32, #tpu.memory_space<vmem>> -> memref<80xi32, #tpu.memory_space<vmem>>
        %dma_wait3A_78 = arith.constant 0 : i32
        %dma_wait3A_79 = arith.constant 0 : i32
        %dma_wait3A_80 = tpu.memref_slice %arg18[%dma_wait3A_78, %dma_wait3A_79] : memref<20480x64xbf16, #tpu.memory_space<vmem_shared>> -> memref<20480x64xbf16, #tpu.memory_space<vmem_shared>>
        tpu.wait_indirect_dma semaphore(%run_scoped3A_68 : memref<!tpu.dma_semaphore, #tpu.memory_space<semaphore_mem>>) src(%arg15 : memref<80x64xbf16, #tpu.memory_space<vmem>>) dst(%dma_wait3A_80 : memref<20480x64xbf16, #tpu.memory_space<vmem_shared>>)
        tpu.yield
      }) : () -> ()
      %run_scoped3A_67 = arith.constant 24 : i32
      "tpu.region"() ({
        %run_scoped3A_68 = tpu.sem_alloc : memref<!tpu.dma_semaphore, #tpu.memory_space<semaphore_mem>>
        %dma_start3A_69 = arith.constant 0 : i32
        %dma_start3A_70 = tpu.memref_slice %arg14[%run_scoped3A_67, %dma_start3A_69] : memref<25x80xi32, #tpu.memory_space<vmem>> -> memref<1x80xi32, #tpu.memory_space<vmem>>
        %dma_start3A_71 = tpu.memref_squeeze %dma_start3A_70 : memref<1x80xi32, #tpu.memory_space<vmem>> -> memref<80xi32, #tpu.memory_space<vmem>>
        %dma_start3A_72 = arith.constant 0 : i32
        %dma_start3A_73 = tpu.memref_slice %arg19[%dma_start3A_72] : memref<20480xf32, #tpu.memory_space<vmem_shared>> -> memref<20480xf32, #tpu.memory_space<vmem_shared>>
        tpu.enqueue_indirect_dma source(%arg17 : memref<80xf32, #tpu.memory_space<vmem>>) target(%dma_start3A_73 : memref<20480xf32, #tpu.memory_space<vmem_shared>>) offsets(%dma_start3A_71 : memref<80xi32, #tpu.memory_space<vmem>>) semaphore(%run_scoped3A_68 : memref<!tpu.dma_semaphore, #tpu.memory_space<semaphore_mem>>) {add = true}
        %dma_wait3A_74 = arith.constant 0 : i32
        %dma_wait3A_75 = tpu.memref_slice %arg14[%run_scoped3A_67, %dma_wait3A_74] : memref<25x80xi32, #tpu.memory_space<vmem>> -> memref<1x80xi32, #tpu.memory_space<vmem>>
        %dma_wait3A_76 = tpu.memref_squeeze %dma_wait3A_75 : memref<1x80xi32, #tpu.memory_space<vmem>> -> memref<80xi32, #tpu.memory_space<vmem>>
        %dma_wait3A_77 = arith.constant 0 : i32
        %dma_wait3A_78 = tpu.memref_slice %arg19[%dma_wait3A_77] : memref<20480xf32, #tpu.memory_space<vmem_shared>> -> memref<20480xf32, #tpu.memory_space<vmem_shared>>
        tpu.wait_indirect_dma semaphore(%run_scoped3A_68 : memref<!tpu.dma_semaphore, #tpu.memory_space<semaphore_mem>>) src(%arg17 : memref<80xf32, #tpu.memory_space<vmem>>) dst(%dma_wait3A_78 : memref<20480xf32, #tpu.memory_space<vmem_shared>>)
        tpu.yield
      }) : () -> ()
    }
    %scan3A_37 = arith.constant 5 : i32
    %barrier3A_38 = arith.constant 0 : index
    tpu.barrier barrier_id(%barrier3A_38)
    "tpu.region"() ({
      %run_scoped3A = tpu.sem_alloc : memref<!tpu.dma_semaphore, #tpu.memory_space<semaphore_mem>>
      %dma_start3A = arith.constant 0 : i32
      %dma_start3A_39 = tpu.memref_slice %arg8[%arg0, %mul3A_2, %dma_start3A] : memref<2x20480x64xbf16, #tpu.memory_space<hbm>> -> memref<1x1280x64xbf16, #tpu.memory_space<hbm>>
      %dma_start3A_40 = tpu.memref_squeeze %dma_start3A_39 : memref<1x1280x64xbf16, #tpu.memory_space<hbm>> -> memref<1280x64xbf16, #tpu.memory_space<hbm>>
      %dma_start3A_41 = arith.constant 0 : i32
      %dma_start3A_42 = tpu.memref_slice %arg18[%mul3A_2, %dma_start3A_41] : memref<20480x64xbf16, #tpu.memory_space<vmem_shared>> -> memref<1280x64xbf16, #tpu.memory_space<vmem_shared>>
      tpu.enqueue_dma source(%dma_start3A_42 : memref<1280x64xbf16, #tpu.memory_space<vmem_shared>>) target(%dma_start3A_40 : memref<1280x64xbf16, #tpu.memory_space<hbm>>) target_semaphore(%run_scoped3A : memref<!tpu.dma_semaphore, #tpu.memory_space<semaphore_mem>>)
      %dma_wait3A = arith.constant 0 : i32
      %dma_wait3A_43 = tpu.memref_slice %arg8[%arg0, %mul3A_2, %dma_wait3A] : memref<2x20480x64xbf16, #tpu.memory_space<hbm>> -> memref<1x1280x64xbf16, #tpu.memory_space<hbm>>
      %dma_wait3A_44 = tpu.memref_squeeze %dma_wait3A_43 : memref<1x1280x64xbf16, #tpu.memory_space<hbm>> -> memref<1280x64xbf16, #tpu.memory_space<hbm>>
      %dma_wait3A_45 = arith.constant 0 : i32
      %dma_wait3A_46 = tpu.memref_slice %arg18[%mul3A_2, %dma_wait3A_45] : memref<20480x64xbf16, #tpu.memory_space<vmem_shared>> -> memref<1280x64xbf16, #tpu.memory_space<vmem_shared>>
      tpu.wait_dma2 semaphore(%run_scoped3A : memref<!tpu.dma_semaphore, #tpu.memory_space<semaphore_mem>>) src(%dma_wait3A_46 : memref<1280x64xbf16, #tpu.memory_space<vmem_shared>>) dst(%dma_wait3A_44 : memref<1280x64xbf16, #tpu.memory_space<hbm>>)
      tpu.yield
    }) : () -> ()
    "tpu.region"() ({
      %run_scoped3A = tpu.sem_alloc : memref<!tpu.dma_semaphore, #tpu.memory_space<semaphore_mem>>
      %dma_start3A = tpu.memref_slice %arg9[%arg0, %mul3A_2] : memref<2x20480xf32, #tpu.memory_space<hbm>> -> memref<1x1280xf32, #tpu.memory_space<hbm>>
      %dma_start3A_39 = tpu.memref_squeeze %dma_start3A : memref<1x1280xf32, #tpu.memory_space<hbm>> -> memref<1280xf32, #tpu.memory_space<hbm>>
      %dma_start3A_40 = tpu.memref_slice %arg19[%mul3A_2] : memref<20480xf32, #tpu.memory_space<vmem_shared>> -> memref<1280xf32, #tpu.memory_space<vmem_shared>>
      tpu.enqueue_dma source(%dma_start3A_40 : memref<1280xf32, #tpu.memory_space<vmem_shared>>) target(%dma_start3A_39 : memref<1280xf32, #tpu.memory_space<hbm>>) target_semaphore(%run_scoped3A : memref<!tpu.dma_semaphore, #tpu.memory_space<semaphore_mem>>)
      %dma_wait3A = tpu.memref_slice %arg9[%arg0, %mul3A_2] : memref<2x20480xf32, #tpu.memory_space<hbm>> -> memref<1x1280xf32, #tpu.memory_space<hbm>>
      %dma_wait3A_41 = tpu.memref_squeeze %dma_wait3A : memref<1x1280xf32, #tpu.memory_space<hbm>> -> memref<1280xf32, #tpu.memory_space<hbm>>
      %dma_wait3A_42 = tpu.memref_slice %arg19[%mul3A_2] : memref<20480xf32, #tpu.memory_space<vmem_shared>> -> memref<1280xf32, #tpu.memory_space<vmem_shared>>
      tpu.wait_dma2 semaphore(%run_scoped3A : memref<!tpu.dma_semaphore, #tpu.memory_space<semaphore_mem>>) src(%dma_wait3A_42 : memref<1280xf32, #tpu.memory_space<vmem_shared>>) dst(%dma_wait3A_41 : memref<1280xf32, #tpu.memory_space<hbm>>)
      tpu.yield
    }) : () -> ()
    return
  }
}

#map = affine_map<(d0, d1) -> (0, 0)>
#map1 = affine_map<(d0, d1) -> (0)>
#map2 = affine_map<(d0, d1) -> (0, 0, 0)>
module attributes {stable_mosaic.version = 14 : i64} {
  func.func @_sc2_body(%arg0: i32, %arg1: i32, %arg2: memref<20000x128xbf16, #tpu.memory_space<hbm>>, %arg3: memref<320000xi32, #tpu.memory_space<hbm>>, %arg4: memref<320000xi32, #tpu.memory_space<hbm>>, %arg5: memref<320000xf32, #tpu.memory_space<hbm>>, %arg6: memref<20480x128xbf16, #tpu.memory_space<hbm>>, %arg7: memref<2x20480x128xbf16, #tpu.memory_space<hbm>>, %arg8: memref<2000xi32, #tpu.memory_space<vmem>>, %arg9: memref<2000xi32, #tpu.memory_space<vmem>>, %arg10: memref<2000xf32, #tpu.memory_space<vmem>>, %arg11: memref<25x80xi32, #tpu.memory_space<vmem>>, %arg12: memref<25x80xi32, #tpu.memory_space<vmem>>, %arg13: memref<80x128xbf16, #tpu.memory_space<vmem>>, %arg14: memref<80x128xbf16, #tpu.memory_space<vmem>>, %arg15: memref<20480x128xbf16, #tpu.memory_space<vmem_shared>>, %arg16: memref<!tpu.dma_semaphore, #tpu.memory_space<semaphore_mem>>, %arg17: memref<!tpu.dma_semaphore, #tpu.memory_space<semaphore_mem>>) attributes {dimension_semantics = [#tpu.dimension_semantics<core_parallel>, #tpu.dimension_semantics<subcore_parallel>], iteration_bounds = array<i64: 2, 16>, scalar_prefetch = 0 : i64, scratch_operands = 10 : i64, tpu.core_type = #tpu.core_type<sc_vector_subcore>, window_params = [{transform_indices = #map}, {transform_indices = #map1}, {transform_indices = #map1}, {transform_indices = #map1}, {transform_indices = #map}, {transform_indices = #map2}]} {
    %mul3A = arith.constant 2 : i32
    %mul3A_0 = arith.muli %arg1, %mul3A : i32
    %add3A = arith.addi %mul3A_0, %arg0 : i32
    %mul3A_1 = arith.constant 1280 : i32
    %mul3A_2 = arith.muli %arg1, %mul3A_1 : i32
    "tpu.region"() ({
      %run_scoped3A = tpu.sem_alloc : memref<!tpu.dma_semaphore, #tpu.memory_space<semaphore_mem>>
      %dma_start3A = arith.constant 0 : i32
      %dma_start3A_11 = tpu.memref_slice %arg15[%mul3A_2, %dma_start3A] : memref<20480x128xbf16, #tpu.memory_space<vmem_shared>> -> memref<1280x128xbf16, #tpu.memory_space<vmem_shared>>
      %dma_start3A_12 = arith.constant 0 : i32
      %dma_start3A_13 = tpu.memref_slice %arg6[%mul3A_2, %dma_start3A_12] : memref<20480x128xbf16, #tpu.memory_space<hbm>> -> memref<1280x128xbf16, #tpu.memory_space<hbm>>
      tpu.enqueue_dma source(%dma_start3A_13 : memref<1280x128xbf16, #tpu.memory_space<hbm>>) target(%dma_start3A_11 : memref<1280x128xbf16, #tpu.memory_space<vmem_shared>>) target_semaphore(%run_scoped3A : memref<!tpu.dma_semaphore, #tpu.memory_space<semaphore_mem>>)
      %dma_wait3A = arith.constant 0 : i32
      %dma_wait3A_14 = tpu.memref_slice %arg15[%mul3A_2, %dma_wait3A] : memref<20480x128xbf16, #tpu.memory_space<vmem_shared>> -> memref<1280x128xbf16, #tpu.memory_space<vmem_shared>>
      %dma_wait3A_15 = arith.constant 0 : i32
      %dma_wait3A_16 = tpu.memref_slice %arg6[%mul3A_2, %dma_wait3A_15] : memref<20480x128xbf16, #tpu.memory_space<hbm>> -> memref<1280x128xbf16, #tpu.memory_space<hbm>>
      tpu.wait_dma2 semaphore(%run_scoped3A : memref<!tpu.dma_semaphore, #tpu.memory_space<semaphore_mem>>) src(%dma_wait3A_16 : memref<1280x128xbf16, #tpu.memory_space<hbm>>) dst(%dma_wait3A_14 : memref<1280x128xbf16, #tpu.memory_space<vmem_shared>>)
      tpu.yield
    }) : () -> ()
    %mul3A_3 = arith.constant 10000 : i32
    %mul3A_4 = arith.muli %add3A, %mul3A_3 : i32
    %barrier3A = arith.constant 0 : index
    tpu.barrier barrier_id(%barrier3A)
    %scan3A = arith.constant 0 : i32
    %scan3A_5 = arith.constant 0 : i32
    %scan3A_6 = arith.constant 5 : i32
    %scan3A_7 = arith.addi %scan3A_5, %scan3A_6 : i32
    %scan3A_8 = arith.constant 1 : i32
    scf.for %scan3A_11 = %scan3A_5 to %scan3A_7 step %scan3A_8  : i32 {
      %mul3A_12 = arith.constant 2000 : i32
      %mul3A_13 = arith.muli %scan3A_11, %mul3A_12 : i32
      %add3A_14 = arith.addi %mul3A_4, %mul3A_13 : i32
      "tpu.region"() ({
        %run_scoped3A_39 = tpu.sem_alloc : memref<!tpu.dma_semaphore, #tpu.memory_space<semaphore_mem>>
        %dma_start3A_40 = tpu.memref_slice %arg3[%add3A_14] : memref<320000xi32, #tpu.memory_space<hbm>> -> memref<2000xi32, #tpu.memory_space<hbm>>
        %dma_start3A_41 = tpu.memref_slice %arg3[%add3A_14] : memref<320000xi32, #tpu.memory_space<hbm>> -> memref<2000xi32, #tpu.memory_space<hbm>>
        tpu.enqueue_dma source(%dma_start3A_41 : memref<2000xi32, #tpu.memory_space<hbm>>) target(%arg8 : memref<2000xi32, #tpu.memory_space<vmem>>) target_semaphore(%run_scoped3A_39 : memref<!tpu.dma_semaphore, #tpu.memory_space<semaphore_mem>>)
        %dma_wait3A_42 = tpu.memref_slice %arg3[%add3A_14] : memref<320000xi32, #tpu.memory_space<hbm>> -> memref<2000xi32, #tpu.memory_space<hbm>>
        %dma_wait3A_43 = tpu.memref_slice %arg3[%add3A_14] : memref<320000xi32, #tpu.memory_space<hbm>> -> memref<2000xi32, #tpu.memory_space<hbm>>
        tpu.wait_dma2 semaphore(%run_scoped3A_39 : memref<!tpu.dma_semaphore, #tpu.memory_space<semaphore_mem>>) src(%dma_wait3A_43 : memref<2000xi32, #tpu.memory_space<hbm>>) dst(%arg8 : memref<2000xi32, #tpu.memory_space<vmem>>)
        tpu.yield
      }) : () -> ()
      "tpu.region"() ({
        %run_scoped3A_39 = tpu.sem_alloc : memref<!tpu.dma_semaphore, #tpu.memory_space<semaphore_mem>>
        %dma_start3A_40 = tpu.memref_slice %arg4[%add3A_14] : memref<320000xi32, #tpu.memory_space<hbm>> -> memref<2000xi32, #tpu.memory_space<hbm>>
        %dma_start3A_41 = tpu.memref_slice %arg4[%add3A_14] : memref<320000xi32, #tpu.memory_space<hbm>> -> memref<2000xi32, #tpu.memory_space<hbm>>
        tpu.enqueue_dma source(%dma_start3A_41 : memref<2000xi32, #tpu.memory_space<hbm>>) target(%arg9 : memref<2000xi32, #tpu.memory_space<vmem>>) target_semaphore(%run_scoped3A_39 : memref<!tpu.dma_semaphore, #tpu.memory_space<semaphore_mem>>)
        %dma_wait3A_42 = tpu.memref_slice %arg4[%add3A_14] : memref<320000xi32, #tpu.memory_space<hbm>> -> memref<2000xi32, #tpu.memory_space<hbm>>
        %dma_wait3A_43 = tpu.memref_slice %arg4[%add3A_14] : memref<320000xi32, #tpu.memory_space<hbm>> -> memref<2000xi32, #tpu.memory_space<hbm>>
        tpu.wait_dma2 semaphore(%run_scoped3A_39 : memref<!tpu.dma_semaphore, #tpu.memory_space<semaphore_mem>>) src(%dma_wait3A_43 : memref<2000xi32, #tpu.memory_space<hbm>>) dst(%arg9 : memref<2000xi32, #tpu.memory_space<vmem>>)
        tpu.yield
      }) : () -> ()
      "tpu.region"() ({
        %run_scoped3A_39 = tpu.sem_alloc : memref<!tpu.dma_semaphore, #tpu.memory_space<semaphore_mem>>
        %dma_start3A_40 = tpu.memref_slice %arg5[%add3A_14] : memref<320000xf32, #tpu.memory_space<hbm>> -> memref<2000xf32, #tpu.memory_space<hbm>>
        %dma_start3A_41 = tpu.memref_slice %arg5[%add3A_14] : memref<320000xf32, #tpu.memory_space<hbm>> -> memref<2000xf32, #tpu.memory_space<hbm>>
        tpu.enqueue_dma source(%dma_start3A_41 : memref<2000xf32, #tpu.memory_space<hbm>>) target(%arg10 : memref<2000xf32, #tpu.memory_space<vmem>>) target_semaphore(%run_scoped3A_39 : memref<!tpu.dma_semaphore, #tpu.memory_space<semaphore_mem>>)
        %dma_wait3A_42 = tpu.memref_slice %arg5[%add3A_14] : memref<320000xf32, #tpu.memory_space<hbm>> -> memref<2000xf32, #tpu.memory_space<hbm>>
        %dma_wait3A_43 = tpu.memref_slice %arg5[%add3A_14] : memref<320000xf32, #tpu.memory_space<hbm>> -> memref<2000xf32, #tpu.memory_space<hbm>>
        tpu.wait_dma2 semaphore(%run_scoped3A_39 : memref<!tpu.dma_semaphore, #tpu.memory_space<semaphore_mem>>) src(%dma_wait3A_43 : memref<2000xf32, #tpu.memory_space<hbm>>) dst(%arg10 : memref<2000xf32, #tpu.memory_space<vmem>>)
        tpu.yield
      }) : () -> ()
      %scan3A_15 = arith.constant 0 : i32
      %scan3A_16 = arith.constant 0 : i32
      %scan3A_17 = arith.constant 125 : i32
      %scan3A_18 = arith.addi %scan3A_16, %scan3A_17 : i32
      %scan3A_19 = arith.constant 1 : i32
      scf.for %scan3A_39 = %scan3A_16 to %scan3A_18 step %scan3A_19  : i32 {
        %jit3A = arith.constant 5 : i32
        %div3A = arith.divsi %scan3A_39, %jit3A : i32
        %sign3A = arith.constant 0 : i32
        %sign3A_40 = arith.cmpi sgt, %scan3A_39, %sign3A : i32
        %sign3A_41 = arith.extui %sign3A_40 : i1 to i32
        %sign3A_42 = arith.constant 0 : i32
        %sign3A_43 = arith.cmpi slt, %scan3A_39, %sign3A_42 : i32
        %sign3A_44 = arith.extui %sign3A_43 : i1 to i32
        %sign3A_45 = arith.subi %sign3A_41, %sign3A_44 : i32
        %sign3A_46 = arith.constant 0 : i32
        %sign3A_47 = arith.cmpi sgt, %jit3A, %sign3A_46 : i32
        %sign3A_48 = arith.extui %sign3A_47 : i1 to i32
        %sign3A_49 = arith.constant 0 : i32
        %sign3A_50 = arith.cmpi slt, %jit3A, %sign3A_49 : i32
        %sign3A_51 = arith.extui %sign3A_50 : i1 to i32
        %sign3A_52 = arith.subi %sign3A_48, %sign3A_51 : i32
        %ne3A = arith.cmpi ne, %sign3A_45, %sign3A_52 : i32
        %rem3A = arith.remsi %scan3A_39, %jit3A : i32
        %ne3A_53 = arith.constant 0 : i32
        %ne3A_54 = arith.cmpi ne, %rem3A, %ne3A_53 : i32
        %and3A = arith.andi %ne3A, %ne3A_54 : i1
        %sub3A = arith.constant 1 : i32
        %sub3A_55 = arith.subi %div3A, %sub3A : i32
        %select_n3A = arith.select %and3A, %sub3A_55, %div3A : i32
        %jit3A_56 = arith.constant 5 : i32
        %eq3A = arith.constant 0 : i32
        %eq3A_57 = arith.cmpi eq, %jit3A_56, %eq3A : i32
        %jit3A_58 = arith.constant 1 : i32
        %select_n3A_59 = arith.select %eq3A_57, %jit3A_58, %jit3A_56 : i32
        %rem3A_60 = arith.remsi %scan3A_39, %select_n3A_59 : i32
        %ne3A_61 = arith.constant 0 : i32
        %ne3A_62 = arith.cmpi ne, %rem3A_60, %ne3A_61 : i32
        %lt3A = arith.constant 0 : i32
        %lt3A_63 = arith.cmpi slt, %rem3A_60, %lt3A : i32
        %lt3A_64 = arith.constant 0 : i32
        %lt3A_65 = arith.cmpi slt, %select_n3A_59, %lt3A_64 : i32
        %ne3A_66 = arith.xori %lt3A_63, %lt3A_65 : i1
        %and3A_67 = arith.andi %ne3A_66, %ne3A_62 : i1
        %add3A_68 = arith.addi %rem3A_60, %select_n3A_59 : i32
        %select_n3A_69 = arith.select %and3A_67, %add3A_68, %rem3A_60 : i32
        %mul3A_70 = arith.constant 16 : i32
        %mul3A_71 = arith.muli %scan3A_39, %mul3A_70 : i32
        %get3A = arith.index_cast %mul3A_71 : i32 to index
        %get3A_72 = tpu.vector_load %arg8[%get3A] {strides = array<i32>} : memref<2000xi32, #tpu.memory_space<vmem>>, vector<16xi32>,
        %get3A_73 = vector.shape_cast %get3A_72 : vector<16xi32> to vector<16xi32>
        %get3A_74 = arith.index_cast %mul3A_71 : i32 to index
        %get3A_75 = tpu.vector_load %arg9[%get3A_74] {strides = array<i32>} : memref<2000xi32, #tpu.memory_space<vmem>>, vector<16xi32>,
        %get3A_76 = vector.shape_cast %get3A_75 : vector<16xi32> to vector<16xi32>
        %get3A_77 = arith.index_cast %mul3A_71 : i32 to index
        %get3A_78 = tpu.vector_load %arg10[%get3A_77] {strides = array<i32>} : memref<2000xf32, #tpu.memory_space<vmem>>, vector<16xf32>,
        %get3A_79 = vector.shape_cast %get3A_78 : vector<16xf32> to vector<16xf32>
        %lt3A_80 = arith.constant 0.000000e+00 : f32
        %lt3A_81 = vector.broadcast %lt3A_80 : f32 to vector<16xf32>
        %lt3A_82 = arith.cmpf olt, %get3A_79, %lt3A_81 : vector<16xf32>
        %jit3A_83 = arith.constant 10000 : i32
        %jit3A_84 = arith.constant 0 : i32
        %broadcast_in_dim3A = vector.broadcast %jit3A_83 : i32 to vector<16xi32>
        %broadcast_in_dim3A_85 = vector.broadcast %jit3A_84 : i32 to vector<16xi32>
        %select_n3A_86 = arith.select %lt3A_82, %broadcast_in_dim3A, %broadcast_in_dim3A_85 : vector<16xi1>, vector<16xi32>
        %add3A_87 = arith.addi %get3A_73, %select_n3A_86 : vector<16xi32>
        %add3A_88 = arith.constant 0 : i32
        %add3A_89 = vector.broadcast %add3A_88 : i32 to vector<16xi32>
        %add3A_90 = arith.addi %add3A_87, %add3A_89 : vector<16xi32>
        %mul3A_91 = arith.constant 16 : i32
        %mul3A_92 = arith.muli %select_n3A_69, %mul3A_91 : i32
        %swap3A = arith.index_cast %select_n3A : i32 to index
        %swap3A_93 = arith.index_cast %mul3A_92 : i32 to index
        %swap3A_94 = tpu.vector_load %arg11[%swap3A, %swap3A_93] {strides = array<i32>} : memref<25x80xi32, #tpu.memory_space<vmem>>, vector<1x16xi32>,
        %swap3A_95 = vector.shape_cast %swap3A_94 : vector<1x16xi32> to vector<16xi32>
        %swap3A_96 = vector.shape_cast %add3A_90 : vector<16xi32> to vector<1x16xi32>
        tpu.vector_store %arg11[%swap3A, %swap3A_93], %swap3A_96 {strides = array<i32>} : memref<25x80xi32, #tpu.memory_space<vmem>>, vector<1x16xi32>,
        %eq3A_97 = arith.constant 0.000000e+00 : f32
        %eq3A_98 = vector.broadcast %eq3A_97 : f32 to vector<16xf32>
        %eq3A_99 = arith.cmpf oeq, %get3A_79, %eq3A_98 : vector<16xf32>
        %add3A_100 = arith.addi %get3A_76, %select_n3A_86 : vector<16xi32>
        %jit3A_101 = arith.constant 20000 : i32
        %broadcast_in_dim3A_102 = vector.broadcast %jit3A_101 : i32 to vector<16xi32>
        %select_n3A_103 = arith.select %eq3A_99, %broadcast_in_dim3A_102, %add3A_100 : vector<16xi1>, vector<16xi32>
        %mul3A_104 = arith.constant 16 : i32
        %mul3A_105 = arith.muli %select_n3A_69, %mul3A_104 : i32
        %swap3A_106 = arith.index_cast %select_n3A : i32 to index
        %swap3A_107 = arith.index_cast %mul3A_105 : i32 to index
        %swap3A_108 = tpu.vector_load %arg12[%swap3A_106, %swap3A_107] {strides = array<i32>} : memref<25x80xi32, #tpu.memory_space<vmem>>, vector<1x16xi32>,
        %swap3A_109 = vector.shape_cast %swap3A_108 : vector<1x16xi32> to vector<16xi32>
        %swap3A_110 = vector.shape_cast %select_n3A_103 : vector<16xi32> to vector<1x16xi32>
        tpu.vector_store %arg12[%swap3A_106, %swap3A_107], %swap3A_110 {strides = array<i32>} : memref<25x80xi32, #tpu.memory_space<vmem>>, vector<1x16xi32>,
      }
      %scan3A_20 = arith.constant 125 : i32
      %dma_start3A = arith.constant 0 : i32
      %dma_start3A_21 = arith.constant 0 : i32
      %dma_start3A_22 = tpu.memref_slice %arg11[%dma_start3A, %dma_start3A_21] : memref<25x80xi32, #tpu.memory_space<vmem>> -> memref<1x80xi32, #tpu.memory_space<vmem>>
      %dma_start3A_23 = tpu.memref_squeeze %dma_start3A_22 : memref<1x80xi32, #tpu.memory_space<vmem>> -> memref<80xi32, #tpu.memory_space<vmem>>
      %dma_start3A_24 = arith.constant 0 : i32
      %dma_start3A_25 = arith.constant 0 : i32
      %dma_start3A_26 = tpu.memref_slice %arg2[%dma_start3A_24, %dma_start3A_25] : memref<20000x128xbf16, #tpu.memory_space<hbm>> -> memref<20000x128xbf16, #tpu.memory_space<hbm>>
      tpu.enqueue_indirect_dma source(%dma_start3A_26 : memref<20000x128xbf16, #tpu.memory_space<hbm>>) target(%arg13 : memref<80x128xbf16, #tpu.memory_space<vmem>>) offsets(%dma_start3A_23 : memref<80xi32, #tpu.memory_space<vmem>>) semaphore(%arg16 : memref<!tpu.dma_semaphore, #tpu.memory_space<semaphore_mem>>)
      %scan3A_27 = arith.constant 0 : i32
      %scan3A_28 = arith.constant 0 : i32
      %scan3A_29 = arith.constant 12 : i32
      %scan3A_30 = arith.addi %scan3A_28, %scan3A_29 : i32
      %scan3A_31 = arith.constant 1 : i32
      scf.for %scan3A_39 = %scan3A_28 to %scan3A_30 step %scan3A_31  : i32 {
        %mul3A_40 = arith.constant 2 : i32
        %mul3A_41 = arith.muli %mul3A_40, %scan3A_39 : i32
        %dma_wait3A_42 = arith.constant 0 : i32
        %dma_wait3A_43 = tpu.memref_slice %arg11[%mul3A_41, %dma_wait3A_42] : memref<25x80xi32, #tpu.memory_space<vmem>> -> memref<1x80xi32, #tpu.memory_space<vmem>>
        %dma_wait3A_44 = tpu.memref_squeeze %dma_wait3A_43 : memref<1x80xi32, #tpu.memory_space<vmem>> -> memref<80xi32, #tpu.memory_space<vmem>>
        %dma_wait3A_45 = arith.constant 0 : i32
        %dma_wait3A_46 = arith.constant 0 : i32
        %dma_wait3A_47 = tpu.memref_slice %arg2[%dma_wait3A_45, %dma_wait3A_46] : memref<20000x128xbf16, #tpu.memory_space<hbm>> -> memref<20000x128xbf16, #tpu.memory_space<hbm>>
        tpu.wait_indirect_dma semaphore(%arg16 : memref<!tpu.dma_semaphore, #tpu.memory_space<semaphore_mem>>) src(%dma_wait3A_47 : memref<20000x128xbf16, #tpu.memory_space<hbm>>) dst(%arg13 : memref<80x128xbf16, #tpu.memory_space<vmem>>)
        %add3A_48 = arith.constant 1 : i32
        %add3A_49 = arith.addi %mul3A_41, %add3A_48 : i32
        %dma_start3A_50 = arith.constant 0 : i32
        %dma_start3A_51 = tpu.memref_slice %arg11[%add3A_49, %dma_start3A_50] : memref<25x80xi32, #tpu.memory_space<vmem>> -> memref<1x80xi32, #tpu.memory_space<vmem>>
        %dma_start3A_52 = tpu.memref_squeeze %dma_start3A_51 : memref<1x80xi32, #tpu.memory_space<vmem>> -> memref<80xi32, #tpu.memory_space<vmem>>
        %dma_start3A_53 = arith.constant 0 : i32
        %dma_start3A_54 = arith.constant 0 : i32
        %dma_start3A_55 = tpu.memref_slice %arg2[%dma_start3A_53, %dma_start3A_54] : memref<20000x128xbf16, #tpu.memory_space<hbm>> -> memref<20000x128xbf16, #tpu.memory_space<hbm>>
        tpu.enqueue_indirect_dma source(%dma_start3A_55 : memref<20000x128xbf16, #tpu.memory_space<hbm>>) target(%arg14 : memref<80x128xbf16, #tpu.memory_space<vmem>>) offsets(%dma_start3A_52 : memref<80xi32, #tpu.memory_space<vmem>>) semaphore(%arg17 : memref<!tpu.dma_semaphore, #tpu.memory_space<semaphore_mem>>)
        "tpu.region"() ({
          %run_scoped3A_76 = tpu.sem_alloc : memref<!tpu.dma_semaphore, #tpu.memory_space<semaphore_mem>>
          %dma_start3A_77 = arith.constant 0 : i32
          %dma_start3A_78 = tpu.memref_slice %arg12[%mul3A_41, %dma_start3A_77] : memref<25x80xi32, #tpu.memory_space<vmem>> -> memref<1x80xi32, #tpu.memory_space<vmem>>
          %dma_start3A_79 = tpu.memref_squeeze %dma_start3A_78 : memref<1x80xi32, #tpu.memory_space<vmem>> -> memref<80xi32, #tpu.memory_space<vmem>>
          %dma_start3A_80 = arith.constant 0 : i32
          %dma_start3A_81 = arith.constant 0 : i32
          %dma_start3A_82 = tpu.memref_slice %arg15[%dma_start3A_80, %dma_start3A_81] : memref<20480x128xbf16, #tpu.memory_space<vmem_shared>> -> memref<20480x128xbf16, #tpu.memory_space<vmem_shared>>
          tpu.enqueue_indirect_dma source(%arg13 : memref<80x128xbf16, #tpu.memory_space<vmem>>) target(%dma_start3A_82 : memref<20480x128xbf16, #tpu.memory_space<vmem_shared>>) offsets(%dma_start3A_79 : memref<80xi32, #tpu.memory_space<vmem>>) semaphore(%run_scoped3A_76 : memref<!tpu.dma_semaphore, #tpu.memory_space<semaphore_mem>>) {add = true}
          %dma_wait3A_83 = arith.constant 0 : i32
          %dma_wait3A_84 = tpu.memref_slice %arg12[%mul3A_41, %dma_wait3A_83] : memref<25x80xi32, #tpu.memory_space<vmem>> -> memref<1x80xi32, #tpu.memory_space<vmem>>
          %dma_wait3A_85 = tpu.memref_squeeze %dma_wait3A_84 : memref<1x80xi32, #tpu.memory_space<vmem>> -> memref<80xi32, #tpu.memory_space<vmem>>
          %dma_wait3A_86 = arith.constant 0 : i32
          %dma_wait3A_87 = arith.constant 0 : i32
          %dma_wait3A_88 = tpu.memref_slice %arg15[%dma_wait3A_86, %dma_wait3A_87] : memref<20480x128xbf16, #tpu.memory_space<vmem_shared>> -> memref<20480x128xbf16, #tpu.memory_space<vmem_shared>>
          tpu.wait_indirect_dma semaphore(%run_scoped3A_76 : memref<!tpu.dma_semaphore, #tpu.memory_space<semaphore_mem>>) src(%arg13 : memref<80x128xbf16, #tpu.memory_space<vmem>>) dst(%dma_wait3A_88 : memref<20480x128xbf16, #tpu.memory_space<vmem_shared>>)
          tpu.yield
        }) : () -> ()
        %add3A_56 = arith.constant 1 : i32
        %add3A_57 = arith.addi %mul3A_41, %add3A_56 : i32
        %dma_wait3A_58 = arith.constant 0 : i32
        %dma_wait3A_59 = tpu.memref_slice %arg11[%add3A_57, %dma_wait3A_58] : memref<25x80xi32, #tpu.memory_space<vmem>> -> memref<1x80xi32, #tpu.memory_space<vmem>>
        %dma_wait3A_60 = tpu.memref_squeeze %dma_wait3A_59 : memref<1x80xi32, #tpu.memory_space<vmem>> -> memref<80xi32, #tpu.memory_space<vmem>>
        %dma_wait3A_61 = arith.constant 0 : i32
        %dma_wait3A_62 = arith.constant 0 : i32
        %dma_wait3A_63 = tpu.memref_slice %arg2[%dma_wait3A_61, %dma_wait3A_62] : memref<20000x128xbf16, #tpu.memory_space<hbm>> -> memref<20000x128xbf16, #tpu.memory_space<hbm>>
        tpu.wait_indirect_dma semaphore(%arg17 : memref<!tpu.dma_semaphore, #tpu.memory_space<semaphore_mem>>) src(%dma_wait3A_63 : memref<20000x128xbf16, #tpu.memory_space<hbm>>) dst(%arg14 : memref<80x128xbf16, #tpu.memory_space<vmem>>)
        %add3A_64 = arith.constant 2 : i32
        %add3A_65 = arith.addi %mul3A_41, %add3A_64 : i32
        %dma_start3A_66 = arith.constant 0 : i32
        %dma_start3A_67 = tpu.memref_slice %arg11[%add3A_65, %dma_start3A_66] : memref<25x80xi32, #tpu.memory_space<vmem>> -> memref<1x80xi32, #tpu.memory_space<vmem>>
        %dma_start3A_68 = tpu.memref_squeeze %dma_start3A_67 : memref<1x80xi32, #tpu.memory_space<vmem>> -> memref<80xi32, #tpu.memory_space<vmem>>
        %dma_start3A_69 = arith.constant 0 : i32
        %dma_start3A_70 = arith.constant 0 : i32
        %dma_start3A_71 = tpu.memref_slice %arg2[%dma_start3A_69, %dma_start3A_70] : memref<20000x128xbf16, #tpu.memory_space<hbm>> -> memref<20000x128xbf16, #tpu.memory_space<hbm>>
        tpu.enqueue_indirect_dma source(%dma_start3A_71 : memref<20000x128xbf16, #tpu.memory_space<hbm>>) target(%arg13 : memref<80x128xbf16, #tpu.memory_space<vmem>>) offsets(%dma_start3A_68 : memref<80xi32, #tpu.memory_space<vmem>>) semaphore(%arg16 : memref<!tpu.dma_semaphore, #tpu.memory_space<semaphore_mem>>)
        %add3A_72 = arith.constant 1 : i32
        %add3A_73 = arith.addi %mul3A_41, %add3A_72 : i32
        "tpu.region"() ({
          %run_scoped3A_76 = tpu.sem_alloc : memref<!tpu.dma_semaphore, #tpu.memory_space<semaphore_mem>>
          %dma_start3A_77 = arith.constant 0 : i32
          %dma_start3A_78 = tpu.memref_slice %arg12[%add3A_73, %dma_start3A_77] : memref<25x80xi32, #tpu.memory_space<vmem>> -> memref<1x80xi32, #tpu.memory_space<vmem>>
          %dma_start3A_79 = tpu.memref_squeeze %dma_start3A_78 : memref<1x80xi32, #tpu.memory_space<vmem>> -> memref<80xi32, #tpu.memory_space<vmem>>
          %dma_start3A_80 = arith.constant 0 : i32
          %dma_start3A_81 = arith.constant 0 : i32
          %dma_start3A_82 = tpu.memref_slice %arg15[%dma_start3A_80, %dma_start3A_81] : memref<20480x128xbf16, #tpu.memory_space<vmem_shared>> -> memref<20480x128xbf16, #tpu.memory_space<vmem_shared>>
          tpu.enqueue_indirect_dma source(%arg14 : memref<80x128xbf16, #tpu.memory_space<vmem>>) target(%dma_start3A_82 : memref<20480x128xbf16, #tpu.memory_space<vmem_shared>>) offsets(%dma_start3A_79 : memref<80xi32, #tpu.memory_space<vmem>>) semaphore(%run_scoped3A_76 : memref<!tpu.dma_semaphore, #tpu.memory_space<semaphore_mem>>) {add = true}
          %dma_wait3A_83 = arith.constant 0 : i32
          %dma_wait3A_84 = tpu.memref_slice %arg12[%add3A_73, %dma_wait3A_83] : memref<25x80xi32, #tpu.memory_space<vmem>> -> memref<1x80xi32, #tpu.memory_space<vmem>>
          %dma_wait3A_85 = tpu.memref_squeeze %dma_wait3A_84 : memref<1x80xi32, #tpu.memory_space<vmem>> -> memref<80xi32, #tpu.memory_space<vmem>>
          %dma_wait3A_86 = arith.constant 0 : i32
          %dma_wait3A_87 = arith.constant 0 : i32
          %dma_wait3A_88 = tpu.memref_slice %arg15[%dma_wait3A_86, %dma_wait3A_87] : memref<20480x128xbf16, #tpu.memory_space<vmem_shared>> -> memref<20480x128xbf16, #tpu.memory_space<vmem_shared>>
          tpu.wait_indirect_dma semaphore(%run_scoped3A_76 : memref<!tpu.dma_semaphore, #tpu.memory_space<semaphore_mem>>) src(%arg14 : memref<80x128xbf16, #tpu.memory_space<vmem>>) dst(%dma_wait3A_88 : memref<20480x128xbf16, #tpu.memory_space<vmem_shared>>)
          tpu.yield
        }) : () -> ()
        %add3A_74 = arith.constant 1 : i32
        %add3A_75 = arith.addi %mul3A_41, %add3A_74 : i32
      }
      %scan3A_32 = arith.constant 12 : i32
      %dma_wait3A = arith.constant 24 : i32
      %dma_wait3A_33 = arith.constant 0 : i32
      %dma_wait3A_34 = tpu.memref_slice %arg11[%dma_wait3A, %dma_wait3A_33] : memref<25x80xi32, #tpu.memory_space<vmem>> -> memref<1x80xi32, #tpu.memory_space<vmem>>
      %dma_wait3A_35 = tpu.memref_squeeze %dma_wait3A_34 : memref<1x80xi32, #tpu.memory_space<vmem>> -> memref<80xi32, #tpu.memory_space<vmem>>
      %dma_wait3A_36 = arith.constant 0 : i32
      %dma_wait3A_37 = arith.constant 0 : i32
      %dma_wait3A_38 = tpu.memref_slice %arg2[%dma_wait3A_36, %dma_wait3A_37] : memref<20000x128xbf16, #tpu.memory_space<hbm>> -> memref<20000x128xbf16, #tpu.memory_space<hbm>>
      tpu.wait_indirect_dma semaphore(%arg16 : memref<!tpu.dma_semaphore, #tpu.memory_space<semaphore_mem>>) src(%dma_wait3A_38 : memref<20000x128xbf16, #tpu.memory_space<hbm>>) dst(%arg13 : memref<80x128xbf16, #tpu.memory_space<vmem>>)
      %run_scoped3A = arith.constant 24 : i32
      "tpu.region"() ({
        %run_scoped3A_39 = tpu.sem_alloc : memref<!tpu.dma_semaphore, #tpu.memory_space<semaphore_mem>>
        %dma_start3A_40 = arith.constant 0 : i32
        %dma_start3A_41 = tpu.memref_slice %arg12[%run_scoped3A, %dma_start3A_40] : memref<25x80xi32, #tpu.memory_space<vmem>> -> memref<1x80xi32, #tpu.memory_space<vmem>>
        %dma_start3A_42 = tpu.memref_squeeze %dma_start3A_41 : memref<1x80xi32, #tpu.memory_space<vmem>> -> memref<80xi32, #tpu.memory_space<vmem>>
        %dma_start3A_43 = arith.constant 0 : i32
        %dma_start3A_44 = arith.constant 0 : i32
        %dma_start3A_45 = tpu.memref_slice %arg15[%dma_start3A_43, %dma_start3A_44] : memref<20480x128xbf16, #tpu.memory_space<vmem_shared>> -> memref<20480x128xbf16, #tpu.memory_space<vmem_shared>>
        tpu.enqueue_indirect_dma source(%arg13 : memref<80x128xbf16, #tpu.memory_space<vmem>>) target(%dma_start3A_45 : memref<20480x128xbf16, #tpu.memory_space<vmem_shared>>) offsets(%dma_start3A_42 : memref<80xi32, #tpu.memory_space<vmem>>) semaphore(%run_scoped3A_39 : memref<!tpu.dma_semaphore, #tpu.memory_space<semaphore_mem>>) {add = true}
        %dma_wait3A_46 = arith.constant 0 : i32
        %dma_wait3A_47 = tpu.memref_slice %arg12[%run_scoped3A, %dma_wait3A_46] : memref<25x80xi32, #tpu.memory_space<vmem>> -> memref<1x80xi32, #tpu.memory_space<vmem>>
        %dma_wait3A_48 = tpu.memref_squeeze %dma_wait3A_47 : memref<1x80xi32, #tpu.memory_space<vmem>> -> memref<80xi32, #tpu.memory_space<vmem>>
        %dma_wait3A_49 = arith.constant 0 : i32
        %dma_wait3A_50 = arith.constant 0 : i32
        %dma_wait3A_51 = tpu.memref_slice %arg15[%dma_wait3A_49, %dma_wait3A_50] : memref<20480x128xbf16, #tpu.memory_space<vmem_shared>> -> memref<20480x128xbf16, #tpu.memory_space<vmem_shared>>
        tpu.wait_indirect_dma semaphore(%run_scoped3A_39 : memref<!tpu.dma_semaphore, #tpu.memory_space<semaphore_mem>>) src(%arg13 : memref<80x128xbf16, #tpu.memory_space<vmem>>) dst(%dma_wait3A_51 : memref<20480x128xbf16, #tpu.memory_space<vmem_shared>>)
        tpu.yield
      }) : () -> ()
    }
    %scan3A_9 = arith.constant 5 : i32
    %barrier3A_10 = arith.constant 0 : index
    tpu.barrier barrier_id(%barrier3A_10)
    "tpu.region"() ({
      %run_scoped3A = tpu.sem_alloc : memref<!tpu.dma_semaphore, #tpu.memory_space<semaphore_mem>>
      %dma_start3A = arith.constant 0 : i32
      %dma_start3A_11 = tpu.memref_slice %arg7[%arg0, %mul3A_2, %dma_start3A] : memref<2x20480x128xbf16, #tpu.memory_space<hbm>> -> memref<1x1280x128xbf16, #tpu.memory_space<hbm>>
      %dma_start3A_12 = tpu.memref_squeeze %dma_start3A_11 : memref<1x1280x128xbf16, #tpu.memory_space<hbm>> -> memref<1280x128xbf16, #tpu.memory_space<hbm>>
      %dma_start3A_13 = arith.constant 0 : i32
      %dma_start3A_14 = tpu.memref_slice %arg15[%mul3A_2, %dma_start3A_13] : memref<20480x128xbf16, #tpu.memory_space<vmem_shared>> -> memref<1280x128xbf16, #tpu.memory_space<vmem_shared>>
      tpu.enqueue_dma source(%dma_start3A_14 : memref<1280x128xbf16, #tpu.memory_space<vmem_shared>>) target(%dma_start3A_12 : memref<1280x128xbf16, #tpu.memory_space<hbm>>) target_semaphore(%run_scoped3A : memref<!tpu.dma_semaphore, #tpu.memory_space<semaphore_mem>>)
      %dma_wait3A = arith.constant 0 : i32
      %dma_wait3A_15 = tpu.memref_slice %arg7[%arg0, %mul3A_2, %dma_wait3A] : memref<2x20480x128xbf16, #tpu.memory_space<hbm>> -> memref<1x1280x128xbf16, #tpu.memory_space<hbm>>
      %dma_wait3A_16 = tpu.memref_squeeze %dma_wait3A_15 : memref<1x1280x128xbf16, #tpu.memory_space<hbm>> -> memref<1280x128xbf16, #tpu.memory_space<hbm>>
      %dma_wait3A_17 = arith.constant 0 : i32
      %dma_wait3A_18 = tpu.memref_slice %arg15[%mul3A_2, %dma_wait3A_17] : memref<20480x128xbf16, #tpu.memory_space<vmem_shared>> -> memref<1280x128xbf16, #tpu.memory_space<vmem_shared>>
      tpu.wait_dma2 semaphore(%run_scoped3A : memref<!tpu.dma_semaphore, #tpu.memory_space<semaphore_mem>>) src(%dma_wait3A_18 : memref<1280x128xbf16, #tpu.memory_space<vmem_shared>>) dst(%dma_wait3A_16 : memref<1280x128xbf16, #tpu.memory_space<hbm>>)
      tpu.yield
    }) : () -> ()
    return
  }
}

module attributes {stable_mosaic.version = 14 : i64} {
  func.func @_tc1_body(%arg0: i32, %arg1: memref<1000x128xf32, #tpu.memory_space<vmem>>, %arg2: memref<256x64xf32, #tpu.memory_space<vmem>>, %arg3: memref<256x64xf32, #tpu.memory_space<vmem>>, %arg4: memref<64xf32, #tpu.memory_space<vmem>>, %arg5: memref<64xf32, #tpu.memory_space<vmem>>, %arg6: memref<2x1000x64xbf16, #tpu.memory_space<vmem>>, %arg7: memref<2x1000x64xf32, #tpu.memory_space<vmem>>) attributes {dimension_semantics = [#tpu.dimension_semantics<arbitrary>], iteration_bounds = array<i64: 10>, scalar_prefetch = 0 : i64, scratch_operands = 0 : i64, tpu.core_type = #tpu.core_type<tc>, window_params = [{transform_indices = @transform_0, window_bounds = array<i64: 1000, 128>}, {pipeline_mode = #tpu.pipeline_mode<synchronous>, transform_indices = @transform_1, window_bounds = array<i64: 256, 64>}, {pipeline_mode = #tpu.pipeline_mode<synchronous>, transform_indices = @transform_2, window_bounds = array<i64: 256, 64>}, {pipeline_mode = #tpu.pipeline_mode<synchronous>, transform_indices = @transform_3, window_bounds = array<i64: 64>}, {pipeline_mode = #tpu.pipeline_mode<synchronous>, transform_indices = @transform_4, window_bounds = array<i64: 64>}, {transform_indices = @transform_5, window_bounds = array<i64: 2, 1000, 64>}, {transform_indices = @transform_6, window_bounds = array<i64: 2, 1000, 64>}]} {
    %get3A = arith.constant 0 : index
    %get3A_0 = arith.constant 0 : index
    %get3A_1 = vector.load %arg1[%get3A, %get3A_0] : memref<1000x128xf32, #tpu.memory_space<vmem>>, vector<1000x128xf32>
    %get3A_2 = arith.constant 0 : index
    %get3A_3 = arith.constant 0 : index
    %get3A_4 = vector.load %arg2[%get3A_2, %get3A_3] : memref<256x64xf32, #tpu.memory_space<vmem>>, vector<256x64xf32>
    %get3A_5 = arith.constant 0 : index
    %get3A_6 = arith.constant 0 : index
    %get3A_7 = vector.load %arg3[%get3A_5, %get3A_6] : memref<256x64xf32, #tpu.memory_space<vmem>>, vector<256x64xf32>
    %slice3A = vector.extract_strided_slice %get3A_4 {offsets = [0, 0], sizes = [128, 64], strides = [1, 1]} : vector<256x64xf32> to vector<128x64xf32>
    %dot_general3A = arith.constant dense<0.000000e+00> : vector<1000x64xf32>
    %dot_general3A_8 = tpu.matmul %get3A_1, %slice3A, %dot_general3A {dimension_numbers = #tpu.dot_dimension_numbers<[1], [0], [0], [1], [0, 0, 1, 1], [], []>, transpose_lhs_hint = false} : vector<1000x128xf32>, vector<128x64xf32>, vector<1000x64xf32> -> vector<1000x64xf32>
    %convert_element_type3A = arith.truncf %dot_general3A_8 : vector<1000x64xf32> to vector<1000x64xbf16>
    %swap3A = arith.constant 0 : index
    %swap3A_9 = arith.constant 0 : index
    %swap3A_10 = arith.constant 0 : index
    %swap3A_11 = vector.load %arg6[%swap3A, %swap3A_9, %swap3A_10] : memref<2x1000x64xbf16, #tpu.memory_space<vmem>>, vector<1x1000x64xbf16>
    %swap3A_12 = vector.shape_cast %swap3A_11 : vector<1x1000x64xbf16> to vector<1000x64xbf16>
    %swap3A_13 = vector.shape_cast %convert_element_type3A : vector<1000x64xbf16> to vector<1x1000x64xbf16>
    tpu.vector_store %arg6[%swap3A, %swap3A_9, %swap3A_10], %swap3A_13 {strides = array<i32>} : memref<2x1000x64xbf16, #tpu.memory_space<vmem>>, vector<1x1000x64xbf16>,
    %slice3A_14 = vector.extract_strided_slice %get3A_7 {offsets = [0, 0], sizes = [128, 64], strides = [1, 1]} : vector<256x64xf32> to vector<128x64xf32>
    %dot_general3A_15 = arith.constant dense<0.000000e+00> : vector<1000x64xf32>
    %dot_general3A_16 = tpu.matmul %get3A_1, %slice3A_14, %dot_general3A_15 {dimension_numbers = #tpu.dot_dimension_numbers<[1], [0], [0], [1], [0, 0, 1, 1], [], []>, transpose_lhs_hint = false} : vector<1000x128xf32>, vector<128x64xf32>, vector<1000x64xf32> -> vector<1000x64xf32>
    %convert_element_type3A_17 = arith.truncf %dot_general3A_16 : vector<1000x64xf32> to vector<1000x64xbf16>
    %swap3A_18 = arith.constant 1 : index
    %swap3A_19 = arith.constant 0 : index
    %swap3A_20 = arith.constant 0 : index
    %swap3A_21 = vector.load %arg6[%swap3A_18, %swap3A_19, %swap3A_20] : memref<2x1000x64xbf16, #tpu.memory_space<vmem>>, vector<1x1000x64xbf16>
    %swap3A_22 = vector.shape_cast %swap3A_21 : vector<1x1000x64xbf16> to vector<1000x64xbf16>
    %swap3A_23 = vector.shape_cast %convert_element_type3A_17 : vector<1000x64xbf16> to vector<1x1000x64xbf16>
    tpu.vector_store %arg6[%swap3A_18, %swap3A_19, %swap3A_20], %swap3A_23 {strides = array<i32>} : memref<2x1000x64xbf16, #tpu.memory_space<vmem>>, vector<1x1000x64xbf16>,
    %slice3A_24 = vector.extract_strided_slice %get3A_4 {offsets = [128, 0], sizes = [128, 64], strides = [1, 1]} : vector<256x64xf32> to vector<128x64xf32>
    %dot_general3A_25 = arith.constant dense<0.000000e+00> : vector<1000x64xf32>
    %dot_general3A_26 = tpu.matmul %get3A_1, %slice3A_24, %dot_general3A_25 {dimension_numbers = #tpu.dot_dimension_numbers<[1], [0], [0], [1], [0, 0, 1, 1], [], []>, transpose_lhs_hint = false} : vector<1000x128xf32>, vector<128x64xf32>, vector<1000x64xf32> -> vector<1000x64xf32>
    %get3A_27 = arith.constant 0 : index
    %get3A_28 = vector.load %arg4[%get3A_27] : memref<64xf32, #tpu.memory_space<vmem>>, vector<64xf32>
    %broadcast_in_dim3A = vector.shape_cast %get3A_28 : vector<64xf32> to vector<1x64xf32>
    %add3A = vector.broadcast %broadcast_in_dim3A : vector<1x64xf32> to vector<1000x64xf32>
    %add3A_29 = arith.addf %dot_general3A_26, %add3A : vector<1000x64xf32>
    %swap3A_30 = arith.constant 0 : index
    %swap3A_31 = arith.constant 0 : index
    %swap3A_32 = arith.constant 0 : index
    %swap3A_33 = vector.load %arg7[%swap3A_30, %swap3A_31, %swap3A_32] : memref<2x1000x64xf32, #tpu.memory_space<vmem>>, vector<1x1000x64xf32>
    %swap3A_34 = vector.shape_cast %swap3A_33 : vector<1x1000x64xf32> to vector<1000x64xf32>
    %swap3A_35 = vector.shape_cast %add3A_29 : vector<1000x64xf32> to vector<1x1000x64xf32>
    tpu.vector_store %arg7[%swap3A_30, %swap3A_31, %swap3A_32], %swap3A_35 {strides = array<i32>} : memref<2x1000x64xf32, #tpu.memory_space<vmem>>, vector<1x1000x64xf32>,
    %slice3A_36 = vector.extract_strided_slice %get3A_7 {offsets = [128, 0], sizes = [128, 64], strides = [1, 1]} : vector<256x64xf32> to vector<128x64xf32>
    %dot_general3A_37 = arith.constant dense<0.000000e+00> : vector<1000x64xf32>
    %dot_general3A_38 = tpu.matmul %get3A_1, %slice3A_36, %dot_general3A_37 {dimension_numbers = #tpu.dot_dimension_numbers<[1], [0], [0], [1], [0, 0, 1, 1], [], []>, transpose_lhs_hint = false} : vector<1000x128xf32>, vector<128x64xf32>, vector<1000x64xf32> -> vector<1000x64xf32>
    %get3A_39 = arith.constant 0 : index
    %get3A_40 = vector.load %arg5[%get3A_39] : memref<64xf32, #tpu.memory_space<vmem>>, vector<64xf32>
    %broadcast_in_dim3A_41 = vector.shape_cast %get3A_40 : vector<64xf32> to vector<1x64xf32>
    %add3A_42 = vector.broadcast %broadcast_in_dim3A_41 : vector<1x64xf32> to vector<1000x64xf32>
    %add3A_43 = arith.addf %dot_general3A_38, %add3A_42 : vector<1000x64xf32>
    %swap3A_44 = arith.constant 1 : index
    %swap3A_45 = arith.constant 0 : index
    %swap3A_46 = arith.constant 0 : index
    %swap3A_47 = vector.load %arg7[%swap3A_44, %swap3A_45, %swap3A_46] : memref<2x1000x64xf32, #tpu.memory_space<vmem>>, vector<1x1000x64xf32>
    %swap3A_48 = vector.shape_cast %swap3A_47 : vector<1x1000x64xf32> to vector<1000x64xf32>
    %swap3A_49 = vector.shape_cast %add3A_43 : vector<1000x64xf32> to vector<1x1000x64xf32>
    tpu.vector_store %arg7[%swap3A_44, %swap3A_45, %swap3A_46], %swap3A_49 {strides = array<i32>} : memref<2x1000x64xf32, #tpu.memory_space<vmem>>, vector<1x1000x64xf32>,
    return
  }
  func.func @transform_0(%arg0: i32) -> (i32, i32) {
    %c0_i32 = arith.constant 0 : i32
    %c0_i32_0 = arith.constant 0 : i32
    return %arg0, %c0_i32 : i32, i32
  }
  func.func @transform_1(%arg0: i32) -> (i32, i32) {
    %c0_i32 = arith.constant 0 : i32
    %c0_i32_0 = arith.constant 0 : i32
    %c0_i32_1 = arith.constant 0 : i32
    return %c0_i32, %c0_i32_0 : i32, i32
  }
  func.func @transform_2(%arg0: i32) -> (i32, i32) {
    %c0_i32 = arith.constant 0 : i32
    %c0_i32_0 = arith.constant 0 : i32
    %c0_i32_1 = arith.constant 0 : i32
    return %c0_i32, %c0_i32_0 : i32, i32
  }
  func.func @transform_3(%arg0: i32) -> i32 {
    %c0_i32 = arith.constant 0 : i32
    %c0_i32_0 = arith.constant 0 : i32
    return %c0_i32 : i32
  }
  func.func @transform_4(%arg0: i32) -> i32 {
    %c0_i32 = arith.constant 0 : i32
    %c0_i32_0 = arith.constant 0 : i32
    return %c0_i32 : i32
  }
  func.func @transform_5(%arg0: i32) -> (i32, i32, i32) {
    %c0_i32 = arith.constant 0 : i32
    %c0_i32_0 = arith.constant 0 : i32
    %c0_i32_1 = arith.constant 0 : i32
    return %c0_i32, %arg0, %c0_i32_0 : i32, i32, i32
  }
  func.func @transform_6(%arg0: i32) -> (i32, i32, i32) {
    %c0_i32 = arith.constant 0 : i32
    %c0_i32_0 = arith.constant 0 : i32
    %c0_i32_1 = arith.constant 0 : i32
    return %c0_i32, %arg0, %c0_i32_0 : i32, i32, i32
  }
}

module attributes {stable_mosaic.version = 14 : i64} {
  func.func @_tc2_body(%arg0: i32, %arg1: memref<1x1000x64xbf16, #tpu.memory_space<vmem>>, %arg2: memref<1x1000x64xbf16, #tpu.memory_space<vmem>>, %arg3: memref<1x1000x64xbf16, #tpu.memory_space<vmem>>, %arg4: memref<1x1000x64xbf16, #tpu.memory_space<vmem>>, %arg5: memref<1x1000x1xf32, #tpu.memory_space<vmem>>, %arg6: memref<1x1000x1xf32, #tpu.memory_space<vmem>>, %arg7: memref<1x1000x1xf32, #tpu.memory_space<vmem>>, %arg8: memref<1x1000x1xf32, #tpu.memory_space<vmem>>, %arg9: memref<2x1000x64xf32, #tpu.memory_space<vmem>>, %arg10: memref<192x64xf32, #tpu.memory_space<vmem>>, %arg11: memref<192x64xf32, #tpu.memory_space<vmem>>, %arg12: memref<64xf32, #tpu.memory_space<vmem>>, %arg13: memref<64xf32, #tpu.memory_space<vmem>>, %arg14: memref<128xf32, #tpu.memory_space<vmem>>, %arg15: memref<128xf32, #tpu.memory_space<vmem>>, %arg16: memref<2x1000x128xbf16, #tpu.memory_space<vmem>>, %arg17: memref<2x1000x64xf32, #tpu.memory_space<vmem>>) attributes {dimension_semantics = [#tpu.dimension_semantics<arbitrary>], iteration_bounds = array<i64: 10>, scalar_prefetch = 0 : i64, scratch_operands = 0 : i64, tpu.core_type = #tpu.core_type<tc>, window_params = [{transform_indices = @transform_0, window_bounds = array<i64: 1, 1000, 64>}, {transform_indices = @transform_1, window_bounds = array<i64: 1, 1000, 64>}, {transform_indices = @transform_2, window_bounds = array<i64: 1, 1000, 64>}, {transform_indices = @transform_3, window_bounds = array<i64: 1, 1000, 64>}, {transform_indices = @transform_4, window_bounds = array<i64: 1, 1000, 1>}, {transform_indices = @transform_5, window_bounds = array<i64: 1, 1000, 1>}, {transform_indices = @transform_6, window_bounds = array<i64: 1, 1000, 1>}, {transform_indices = @transform_7, window_bounds = array<i64: 1, 1000, 1>}, {transform_indices = @transform_8, window_bounds = array<i64: 2, 1000, 64>}, {pipeline_mode = #tpu.pipeline_mode<synchronous>, transform_indices = @transform_9, window_bounds = array<i64: 192, 64>}, {pipeline_mode = #tpu.pipeline_mode<synchronous>, transform_indices = @transform_10, window_bounds = array<i64: 192, 64>}, {pipeline_mode = #tpu.pipeline_mode<synchronous>, transform_indices = @transform_11, window_bounds = array<i64: 64>}, {pipeline_mode = #tpu.pipeline_mode<synchronous>, transform_indices = @transform_12, window_bounds = array<i64: 64>}, {pipeline_mode = #tpu.pipeline_mode<synchronous>, transform_indices = @transform_13, window_bounds = array<i64: 128>}, {pipeline_mode = #tpu.pipeline_mode<synchronous>, transform_indices = @transform_14, window_bounds = array<i64: 128>}, {transform_indices = @transform_15, window_bounds = array<i64: 2, 1000, 128>}, {transform_indices = @transform_16, window_bounds = array<i64: 2, 1000, 64>}]} {
    %get3A = arith.constant 0 : index
    %get3A_0 = arith.constant 0 : index
    %get3A_1 = arith.constant 0 : index
    %get3A_2 = vector.load %arg5[%get3A, %get3A_0, %get3A_1] : memref<1x1000x1xf32, #tpu.memory_space<vmem>>, vector<1x1000x1xf32>
    %get3A_3 = vector.shape_cast %get3A_2 : vector<1x1000x1xf32> to vector<1000x1xf32>
    %get3A_4 = arith.constant 0 : index
    %get3A_5 = arith.constant 0 : index
    %get3A_6 = arith.constant 0 : index
    %get3A_7 = vector.load %arg6[%get3A_4, %get3A_5, %get3A_6] : memref<1x1000x1xf32, #tpu.memory_space<vmem>>, vector<1x1000x1xf32>
    %get3A_8 = vector.shape_cast %get3A_7 : vector<1x1000x1xf32> to vector<1000x1xf32>
    %add3A = arith.addf %get3A_3, %get3A_8 : vector<1000x1xf32>
    %max3A = arith.constant 1.000000e+00 : f32
    %max3A_9 = vector.broadcast %max3A : f32 to vector<1000x1xf32>
    %max3A_10 = arith.maximumf %add3A, %max3A_9 : vector<1000x1xf32>
    %get3A_11 = arith.constant 0 : index
    %get3A_12 = arith.constant 0 : index
    %get3A_13 = arith.constant 0 : index
    %get3A_14 = vector.load %arg7[%get3A_11, %get3A_12, %get3A_13] : memref<1x1000x1xf32, #tpu.memory_space<vmem>>, vector<1x1000x1xf32>
    %get3A_15 = vector.shape_cast %get3A_14 : vector<1x1000x1xf32> to vector<1000x1xf32>
    %get3A_16 = arith.constant 0 : index
    %get3A_17 = arith.constant 0 : index
    %get3A_18 = arith.constant 0 : index
    %get3A_19 = vector.load %arg8[%get3A_16, %get3A_17, %get3A_18] : memref<1x1000x1xf32, #tpu.memory_space<vmem>>, vector<1x1000x1xf32>
    %get3A_20 = vector.shape_cast %get3A_19 : vector<1x1000x1xf32> to vector<1000x1xf32>
    %add3A_21 = arith.addf %get3A_15, %get3A_20 : vector<1000x1xf32>
    %max3A_22 = arith.constant 1.000000e+00 : f32
    %max3A_23 = vector.broadcast %max3A_22 : f32 to vector<1000x1xf32>
    %max3A_24 = arith.maximumf %add3A_21, %max3A_23 : vector<1000x1xf32>
    %get3A_25 = arith.constant 0 : index
    %get3A_26 = arith.constant 0 : index
    %get3A_27 = arith.constant 0 : index
    %get3A_28 = vector.load %arg1[%get3A_25, %get3A_26, %get3A_27] : memref<1x1000x64xbf16, #tpu.memory_space<vmem>>, vector<1x1000x64xbf16>
    %get3A_29 = vector.shape_cast %get3A_28 : vector<1x1000x64xbf16> to vector<1000x64xbf16>
    %convert_element_type3A = arith.extf %get3A_29 : vector<1000x64xbf16> to vector<1000x64xf32>
    %get3A_30 = arith.constant 0 : index
    %get3A_31 = arith.constant 0 : index
    %get3A_32 = arith.constant 0 : index
    %get3A_33 = vector.load %arg2[%get3A_30, %get3A_31, %get3A_32] : memref<1x1000x64xbf16, #tpu.memory_space<vmem>>, vector<1x1000x64xbf16>
    %get3A_34 = vector.shape_cast %get3A_33 : vector<1x1000x64xbf16> to vector<1000x64xbf16>
    %convert_element_type3A_35 = arith.extf %get3A_34 : vector<1000x64xbf16> to vector<1000x64xf32>
    %add3A_36 = arith.addf %convert_element_type3A, %convert_element_type3A_35 : vector<1000x64xf32>
    %div3A = vector.broadcast %max3A_10 : vector<1000x1xf32> to vector<1000x64xf32>
    %div3A_37 = arith.divf %add3A_36, %div3A : vector<1000x64xf32>
    %get3A_38 = arith.constant 0 : index
    %get3A_39 = arith.constant 0 : index
    %get3A_40 = arith.constant 0 : index
    %get3A_41 = vector.load %arg9[%get3A_38, %get3A_39, %get3A_40] : memref<2x1000x64xf32, #tpu.memory_space<vmem>>, vector<1x1000x64xf32>
    %get3A_42 = vector.shape_cast %get3A_41 : vector<1x1000x64xf32> to vector<1000x64xf32>
    %add3A_43 = arith.addf %div3A_37, %get3A_42 : vector<1000x64xf32>
    %get3A_44 = arith.constant 0 : index
    %get3A_45 = arith.constant 0 : index
    %get3A_46 = arith.constant 0 : index
    %get3A_47 = vector.load %arg3[%get3A_44, %get3A_45, %get3A_46] : memref<1x1000x64xbf16, #tpu.memory_space<vmem>>, vector<1x1000x64xbf16>
    %get3A_48 = vector.shape_cast %get3A_47 : vector<1x1000x64xbf16> to vector<1000x64xbf16>
    %convert_element_type3A_49 = arith.extf %get3A_48 : vector<1000x64xbf16> to vector<1000x64xf32>
    %get3A_50 = arith.constant 0 : index
    %get3A_51 = arith.constant 0 : index
    %get3A_52 = arith.constant 0 : index
    %get3A_53 = vector.load %arg4[%get3A_50, %get3A_51, %get3A_52] : memref<1x1000x64xbf16, #tpu.memory_space<vmem>>, vector<1x1000x64xbf16>
    %get3A_54 = vector.shape_cast %get3A_53 : vector<1x1000x64xbf16> to vector<1000x64xbf16>
    %convert_element_type3A_55 = arith.extf %get3A_54 : vector<1000x64xbf16> to vector<1000x64xf32>
    %add3A_56 = arith.addf %convert_element_type3A_49, %convert_element_type3A_55 : vector<1000x64xf32>
    %div3A_57 = vector.broadcast %max3A_24 : vector<1000x1xf32> to vector<1000x64xf32>
    %div3A_58 = arith.divf %add3A_56, %div3A_57 : vector<1000x64xf32>
    %get3A_59 = arith.constant 1 : index
    %get3A_60 = arith.constant 0 : index
    %get3A_61 = arith.constant 0 : index
    %get3A_62 = vector.load %arg9[%get3A_59, %get3A_60, %get3A_61] : memref<2x1000x64xf32, #tpu.memory_space<vmem>>, vector<1x1000x64xf32>
    %get3A_63 = vector.shape_cast %get3A_62 : vector<1x1000x64xf32> to vector<1000x64xf32>
    %add3A_64 = arith.addf %div3A_58, %get3A_63 : vector<1000x64xf32>
    %max3A_65 = arith.constant 0.000000e+00 : f32
    %max3A_66 = vector.broadcast %max3A_65 : f32 to vector<1000x64xf32>
    %max3A_67 = arith.maximumf %add3A_43, %max3A_66 : vector<1000x64xf32>
    %max3A_68 = arith.constant 0.000000e+00 : f32
    %max3A_69 = vector.broadcast %max3A_68 : f32 to vector<1000x64xf32>
    %max3A_70 = arith.maximumf %add3A_64, %max3A_69 : vector<1000x64xf32>
    %reduce_sum3A = arith.constant dense<0.000000e+00> : vector<1000xf32>
    %reduce_sum3A_71 = vector.multi_reduction <add>, %max3A_67, %reduce_sum3A [1] : vector<1000x64xf32> to vector<1000xf32>
    %broadcast_in_dim3A = vector.shape_cast %reduce_sum3A_71 : vector<1000xf32> to vector<1000x1xf32>
    %reduce_sum3A_72 = arith.constant dense<0.000000e+00> : vector<1000xf32>
    %reduce_sum3A_73 = vector.multi_reduction <add>, %max3A_70, %reduce_sum3A_72 [1] : vector<1000x64xf32> to vector<1000xf32>
    %broadcast_in_dim3A_74 = vector.shape_cast %reduce_sum3A_73 : vector<1000xf32> to vector<1000x1xf32>
    %add3A_75 = arith.addf %broadcast_in_dim3A, %broadcast_in_dim3A_74 : vector<1000x1xf32>
    %div3A_76 = arith.constant 1.280000e+02 : f32
    %div3A_77 = vector.broadcast %div3A_76 : f32 to vector<1000x1xf32>
    %div3A_78 = arith.divf %add3A_75, %div3A_77 : vector<1000x1xf32>
    %sub3A = vector.broadcast %div3A_78 : vector<1000x1xf32> to vector<1000x64xf32>
    %sub3A_79 = arith.subf %max3A_67, %sub3A : vector<1000x64xf32>
    %sub3A_80 = vector.broadcast %div3A_78 : vector<1000x1xf32> to vector<1000x64xf32>
    %sub3A_81 = arith.subf %max3A_70, %sub3A_80 : vector<1000x64xf32>
    %mul3A = arith.mulf %sub3A_79, %sub3A_79 : vector<1000x64xf32>
    %reduce_sum3A_82 = arith.constant dense<0.000000e+00> : vector<1000xf32>
    %reduce_sum3A_83 = vector.multi_reduction <add>, %mul3A, %reduce_sum3A_82 [1] : vector<1000x64xf32> to vector<1000xf32>
    %broadcast_in_dim3A_84 = vector.shape_cast %reduce_sum3A_83 : vector<1000xf32> to vector<1000x1xf32>
    %mul3A_85 = arith.mulf %sub3A_81, %sub3A_81 : vector<1000x64xf32>
    %reduce_sum3A_86 = arith.constant dense<0.000000e+00> : vector<1000xf32>
    %reduce_sum3A_87 = vector.multi_reduction <add>, %mul3A_85, %reduce_sum3A_86 [1] : vector<1000x64xf32> to vector<1000xf32>
    %broadcast_in_dim3A_88 = vector.shape_cast %reduce_sum3A_87 : vector<1000xf32> to vector<1000x1xf32>
    %add3A_89 = arith.addf %broadcast_in_dim3A_84, %broadcast_in_dim3A_88 : vector<1000x1xf32>
    %div3A_90 = arith.constant 1.280000e+02 : f32
    %div3A_91 = vector.broadcast %div3A_90 : f32 to vector<1000x1xf32>
    %div3A_92 = arith.divf %add3A_89, %div3A_91 : vector<1000x1xf32>
    %add3A_93 = arith.constant 9.99999974E-6 : f32
    %add3A_94 = vector.broadcast %add3A_93 : f32 to vector<1000x1xf32>
    %add3A_95 = arith.addf %div3A_92, %add3A_94 : vector<1000x1xf32>
    %rsqrt3A = math.rsqrt %add3A_95 : vector<1000x1xf32>
    %get3A_96 = arith.constant 0 : index
    %get3A_97 = vector.load %arg14[%get3A_96] : memref<128xf32, #tpu.memory_space<vmem>>, vector<128xf32>
    %get3A_98 = arith.constant 0 : index
    %get3A_99 = vector.load %arg15[%get3A_98] : memref<128xf32, #tpu.memory_space<vmem>>, vector<128xf32>
    %mul3A_100 = vector.broadcast %rsqrt3A : vector<1000x1xf32> to vector<1000x64xf32>
    %mul3A_101 = arith.mulf %sub3A_79, %mul3A_100 : vector<1000x64xf32>
    %slice3A = vector.extract_strided_slice %get3A_97 {offsets = [0], sizes = [64], strides = [1]} : vector<128xf32> to vector<64xf32>
    %broadcast_in_dim3A_102 = vector.shape_cast %slice3A : vector<64xf32> to vector<1x64xf32>
    %mul3A_103 = vector.broadcast %broadcast_in_dim3A_102 : vector<1x64xf32> to vector<1000x64xf32>
    %mul3A_104 = arith.mulf %mul3A_101, %mul3A_103 : vector<1000x64xf32>
    %slice3A_105 = vector.extract_strided_slice %get3A_99 {offsets = [0], sizes = [64], strides = [1]} : vector<128xf32> to vector<64xf32>
    %broadcast_in_dim3A_106 = vector.shape_cast %slice3A_105 : vector<64xf32> to vector<1x64xf32>
    %add3A_107 = vector.broadcast %broadcast_in_dim3A_106 : vector<1x64xf32> to vector<1000x64xf32>
    %add3A_108 = arith.addf %mul3A_104, %add3A_107 : vector<1000x64xf32>
    %mul3A_109 = vector.broadcast %rsqrt3A : vector<1000x1xf32> to vector<1000x64xf32>
    %mul3A_110 = arith.mulf %sub3A_81, %mul3A_109 : vector<1000x64xf32>
    %slice3A_111 = vector.extract_strided_slice %get3A_97 {offsets = [64], sizes = [64], strides = [1]} : vector<128xf32> to vector<64xf32>
    %broadcast_in_dim3A_112 = vector.shape_cast %slice3A_111 : vector<64xf32> to vector<1x64xf32>
    %mul3A_113 = vector.broadcast %broadcast_in_dim3A_112 : vector<1x64xf32> to vector<1000x64xf32>
    %mul3A_114 = arith.mulf %mul3A_110, %mul3A_113 : vector<1000x64xf32>
    %slice3A_115 = vector.extract_strided_slice %get3A_99 {offsets = [64], sizes = [64], strides = [1]} : vector<128xf32> to vector<64xf32>
    %broadcast_in_dim3A_116 = vector.shape_cast %slice3A_115 : vector<64xf32> to vector<1x64xf32>
    %add3A_117 = vector.broadcast %broadcast_in_dim3A_116 : vector<1x64xf32> to vector<1000x64xf32>
    %add3A_118 = arith.addf %mul3A_114, %add3A_117 : vector<1000x64xf32>
    %get3A_119 = arith.constant 0 : index
    %get3A_120 = arith.constant 0 : index
    %get3A_121 = vector.load %arg10[%get3A_119, %get3A_120] : memref<192x64xf32, #tpu.memory_space<vmem>>, vector<192x64xf32>
    %get3A_122 = arith.constant 0 : index
    %get3A_123 = arith.constant 0 : index
    %get3A_124 = vector.load %arg11[%get3A_122, %get3A_123] : memref<192x64xf32, #tpu.memory_space<vmem>>, vector<192x64xf32>
    %slice3A_125 = vector.extract_strided_slice %get3A_121 {offsets = [0, 0], sizes = [64, 64], strides = [1, 1]} : vector<192x64xf32> to vector<64x64xf32>
    %dot_general3A = arith.constant dense<0.000000e+00> : vector<1000x64xf32>
    %dot_general3A_126 = tpu.matmul %add3A_108, %slice3A_125, %dot_general3A {dimension_numbers = #tpu.dot_dimension_numbers<[1], [0], [0], [1], [0, 0, 1, 1], [], []>, transpose_lhs_hint = false} : vector<1000x64xf32>, vector<64x64xf32>, vector<1000x64xf32> -> vector<1000x64xf32>
    %convert_element_type3A_127 = arith.truncf %dot_general3A_126 : vector<1000x64xf32> to vector<1000x64xbf16>
    %swap3A = arith.constant 0 : index
    %swap3A_128 = arith.constant 0 : index
    %swap3A_129 = arith.constant 0 : index
    %swap3A_130 = vector.load %arg16[%swap3A, %swap3A_128, %swap3A_129] : memref<2x1000x128xbf16, #tpu.memory_space<vmem>>, vector<1x1000x64xbf16>
    %swap3A_131 = vector.shape_cast %swap3A_130 : vector<1x1000x64xbf16> to vector<1000x64xbf16>
    %swap3A_132 = vector.shape_cast %convert_element_type3A_127 : vector<1000x64xbf16> to vector<1x1000x64xbf16>
    tpu.vector_store %arg16[%swap3A, %swap3A_128, %swap3A_129], %swap3A_132 {strides = array<i32>} : memref<2x1000x128xbf16, #tpu.memory_space<vmem>>, vector<1x1000x64xbf16>,
    %slice3A_133 = vector.extract_strided_slice %get3A_124 {offsets = [0, 0], sizes = [64, 64], strides = [1, 1]} : vector<192x64xf32> to vector<64x64xf32>
    %dot_general3A_134 = arith.constant dense<0.000000e+00> : vector<1000x64xf32>
    %dot_general3A_135 = tpu.matmul %add3A_118, %slice3A_133, %dot_general3A_134 {dimension_numbers = #tpu.dot_dimension_numbers<[1], [0], [0], [1], [0, 0, 1, 1], [], []>, transpose_lhs_hint = false} : vector<1000x64xf32>, vector<64x64xf32>, vector<1000x64xf32> -> vector<1000x64xf32>
    %convert_element_type3A_136 = arith.truncf %dot_general3A_135 : vector<1000x64xf32> to vector<1000x64xbf16>
    %swap3A_137 = arith.constant 0 : index
    %swap3A_138 = arith.constant 0 : index
    %swap3A_139 = arith.constant 64 : index
    %swap3A_140 = vector.load %arg16[%swap3A_137, %swap3A_138, %swap3A_139] : memref<2x1000x128xbf16, #tpu.memory_space<vmem>>, vector<1x1000x64xbf16>
    %swap3A_141 = vector.shape_cast %swap3A_140 : vector<1x1000x64xbf16> to vector<1000x64xbf16>
    %swap3A_142 = vector.shape_cast %convert_element_type3A_136 : vector<1000x64xbf16> to vector<1x1000x64xbf16>
    tpu.vector_store %arg16[%swap3A_137, %swap3A_138, %swap3A_139], %swap3A_142 {strides = array<i32>} : memref<2x1000x128xbf16, #tpu.memory_space<vmem>>, vector<1x1000x64xbf16>,
    %slice3A_143 = vector.extract_strided_slice %get3A_121 {offsets = [64, 0], sizes = [64, 64], strides = [1, 1]} : vector<192x64xf32> to vector<64x64xf32>
    %dot_general3A_144 = arith.constant dense<0.000000e+00> : vector<1000x64xf32>
    %dot_general3A_145 = tpu.matmul %add3A_118, %slice3A_143, %dot_general3A_144 {dimension_numbers = #tpu.dot_dimension_numbers<[1], [0], [0], [1], [0, 0, 1, 1], [], []>, transpose_lhs_hint = false} : vector<1000x64xf32>, vector<64x64xf32>, vector<1000x64xf32> -> vector<1000x64xf32>
    %convert_element_type3A_146 = arith.truncf %dot_general3A_145 : vector<1000x64xf32> to vector<1000x64xbf16>
    %swap3A_147 = arith.constant 1 : index
    %swap3A_148 = arith.constant 0 : index
    %swap3A_149 = arith.constant 0 : index
    %swap3A_150 = vector.load %arg16[%swap3A_147, %swap3A_148, %swap3A_149] : memref<2x1000x128xbf16, #tpu.memory_space<vmem>>, vector<1x1000x64xbf16>
    %swap3A_151 = vector.shape_cast %swap3A_150 : vector<1x1000x64xbf16> to vector<1000x64xbf16>
    %swap3A_152 = vector.shape_cast %convert_element_type3A_146 : vector<1000x64xbf16> to vector<1x1000x64xbf16>
    tpu.vector_store %arg16[%swap3A_147, %swap3A_148, %swap3A_149], %swap3A_152 {strides = array<i32>} : memref<2x1000x128xbf16, #tpu.memory_space<vmem>>, vector<1x1000x64xbf16>,
    %slice3A_153 = vector.extract_strided_slice %get3A_124 {offsets = [64, 0], sizes = [64, 64], strides = [1, 1]} : vector<192x64xf32> to vector<64x64xf32>
    %dot_general3A_154 = arith.constant dense<0.000000e+00> : vector<1000x64xf32>
    %dot_general3A_155 = tpu.matmul %add3A_108, %slice3A_153, %dot_general3A_154 {dimension_numbers = #tpu.dot_dimension_numbers<[1], [0], [0], [1], [0, 0, 1, 1], [], []>, transpose_lhs_hint = false} : vector<1000x64xf32>, vector<64x64xf32>, vector<1000x64xf32> -> vector<1000x64xf32>
    %convert_element_type3A_156 = arith.truncf %dot_general3A_155 : vector<1000x64xf32> to vector<1000x64xbf16>
    %swap3A_157 = arith.constant 1 : index
    %swap3A_158 = arith.constant 0 : index
    %swap3A_159 = arith.constant 64 : index
    %swap3A_160 = vector.load %arg16[%swap3A_157, %swap3A_158, %swap3A_159] : memref<2x1000x128xbf16, #tpu.memory_space<vmem>>, vector<1x1000x64xbf16>
    %swap3A_161 = vector.shape_cast %swap3A_160 : vector<1x1000x64xbf16> to vector<1000x64xbf16>
    %swap3A_162 = vector.shape_cast %convert_element_type3A_156 : vector<1000x64xbf16> to vector<1x1000x64xbf16>
    tpu.vector_store %arg16[%swap3A_157, %swap3A_158, %swap3A_159], %swap3A_162 {strides = array<i32>} : memref<2x1000x128xbf16, #tpu.memory_space<vmem>>, vector<1x1000x64xbf16>,
    %slice3A_163 = vector.extract_strided_slice %get3A_121 {offsets = [128, 0], sizes = [64, 64], strides = [1, 1]} : vector<192x64xf32> to vector<64x64xf32>
    %dot_general3A_164 = arith.constant dense<0.000000e+00> : vector<1000x64xf32>
    %dot_general3A_165 = tpu.matmul %add3A_108, %slice3A_163, %dot_general3A_164 {dimension_numbers = #tpu.dot_dimension_numbers<[1], [0], [0], [1], [0, 0, 1, 1], [], []>, transpose_lhs_hint = false} : vector<1000x64xf32>, vector<64x64xf32>, vector<1000x64xf32> -> vector<1000x64xf32>
    %get3A_166 = arith.constant 0 : index
    %get3A_167 = vector.load %arg12[%get3A_166] : memref<64xf32, #tpu.memory_space<vmem>>, vector<64xf32>
    %broadcast_in_dim3A_168 = vector.shape_cast %get3A_167 : vector<64xf32> to vector<1x64xf32>
    %add3A_169 = vector.broadcast %broadcast_in_dim3A_168 : vector<1x64xf32> to vector<1000x64xf32>
    %add3A_170 = arith.addf %dot_general3A_165, %add3A_169 : vector<1000x64xf32>
    %swap3A_171 = arith.constant 0 : index
    %swap3A_172 = arith.constant 0 : index
    %swap3A_173 = arith.constant 0 : index
    %swap3A_174 = vector.load %arg17[%swap3A_171, %swap3A_172, %swap3A_173] : memref<2x1000x64xf32, #tpu.memory_space<vmem>>, vector<1x1000x64xf32>
    %swap3A_175 = vector.shape_cast %swap3A_174 : vector<1x1000x64xf32> to vector<1000x64xf32>
    %swap3A_176 = vector.shape_cast %add3A_170 : vector<1000x64xf32> to vector<1x1000x64xf32>
    tpu.vector_store %arg17[%swap3A_171, %swap3A_172, %swap3A_173], %swap3A_176 {strides = array<i32>} : memref<2x1000x64xf32, #tpu.memory_space<vmem>>, vector<1x1000x64xf32>,
    %slice3A_177 = vector.extract_strided_slice %get3A_124 {offsets = [128, 0], sizes = [64, 64], strides = [1, 1]} : vector<192x64xf32> to vector<64x64xf32>
    %dot_general3A_178 = arith.constant dense<0.000000e+00> : vector<1000x64xf32>
    %dot_general3A_179 = tpu.matmul %add3A_118, %slice3A_177, %dot_general3A_178 {dimension_numbers = #tpu.dot_dimension_numbers<[1], [0], [0], [1], [0, 0, 1, 1], [], []>, transpose_lhs_hint = false} : vector<1000x64xf32>, vector<64x64xf32>, vector<1000x64xf32> -> vector<1000x64xf32>
    %get3A_180 = arith.constant 0 : index
    %get3A_181 = vector.load %arg13[%get3A_180] : memref<64xf32, #tpu.memory_space<vmem>>, vector<64xf32>
    %broadcast_in_dim3A_182 = vector.shape_cast %get3A_181 : vector<64xf32> to vector<1x64xf32>
    %add3A_183 = vector.broadcast %broadcast_in_dim3A_182 : vector<1x64xf32> to vector<1000x64xf32>
    %add3A_184 = arith.addf %dot_general3A_179, %add3A_183 : vector<1000x64xf32>
    %swap3A_185 = arith.constant 1 : index
    %swap3A_186 = arith.constant 0 : index
    %swap3A_187 = arith.constant 0 : index
    %swap3A_188 = vector.load %arg17[%swap3A_185, %swap3A_186, %swap3A_187] : memref<2x1000x64xf32, #tpu.memory_space<vmem>>, vector<1x1000x64xf32>
    %swap3A_189 = vector.shape_cast %swap3A_188 : vector<1x1000x64xf32> to vector<1000x64xf32>
    %swap3A_190 = vector.shape_cast %add3A_184 : vector<1000x64xf32> to vector<1x1000x64xf32>
    tpu.vector_store %arg17[%swap3A_185, %swap3A_186, %swap3A_187], %swap3A_190 {strides = array<i32>} : memref<2x1000x64xf32, #tpu.memory_space<vmem>>, vector<1x1000x64xf32>,
    return
  }
  func.func @transform_0(%arg0: i32) -> (i32, i32, i32) {
    %c0_i32 = arith.constant 0 : i32
    %c0_i32_0 = arith.constant 0 : i32
    %c0_i32_1 = arith.constant 0 : i32
    return %c0_i32, %arg0, %c0_i32_0 : i32, i32, i32
  }
  func.func @transform_1(%arg0: i32) -> (i32, i32, i32) {
    %c1_i32 = arith.constant 1 : i32
    %c0_i32 = arith.constant 0 : i32
    %c0_i32_0 = arith.constant 0 : i32
    return %c1_i32, %arg0, %c0_i32 : i32, i32, i32
  }
  func.func @transform_2(%arg0: i32) -> (i32, i32, i32) {
    %add3A = arith.constant 10 : i32
    %add3A_0 = arith.addi %arg0, %add3A : i32
    %c0_i32 = arith.constant 0 : i32
    %c0_i32_1 = arith.constant 0 : i32
    %c0_i32_2 = arith.constant 0 : i32
    return %c0_i32, %add3A_0, %c0_i32_1 : i32, i32, i32
  }
  func.func @transform_3(%arg0: i32) -> (i32, i32, i32) {
    %add3A = arith.constant 10 : i32
    %add3A_0 = arith.addi %arg0, %add3A : i32
    %c1_i32 = arith.constant 1 : i32
    %c0_i32 = arith.constant 0 : i32
    %c0_i32_1 = arith.constant 0 : i32
    return %c1_i32, %add3A_0, %c0_i32 : i32, i32, i32
  }
  func.func @transform_4(%arg0: i32) -> (i32, i32, i32) {
    %c0_i32 = arith.constant 0 : i32
    %c0_i32_0 = arith.constant 0 : i32
    %c0_i32_1 = arith.constant 0 : i32
    return %c0_i32, %arg0, %c0_i32_0 : i32, i32, i32
  }
  func.func @transform_5(%arg0: i32) -> (i32, i32, i32) {
    %c1_i32 = arith.constant 1 : i32
    %c0_i32 = arith.constant 0 : i32
    %c0_i32_0 = arith.constant 0 : i32
    return %c1_i32, %arg0, %c0_i32 : i32, i32, i32
  }
  func.func @transform_6(%arg0: i32) -> (i32, i32, i32) {
    %add3A = arith.constant 10 : i32
    %add3A_0 = arith.addi %arg0, %add3A : i32
    %c0_i32 = arith.constant 0 : i32
    %c0_i32_1 = arith.constant 0 : i32
    %c0_i32_2 = arith.constant 0 : i32
    return %c0_i32, %add3A_0, %c0_i32_1 : i32, i32, i32
  }
  func.func @transform_7(%arg0: i32) -> (i32, i32, i32) {
    %add3A = arith.constant 10 : i32
    %add3A_0 = arith.addi %arg0, %add3A : i32
    %c1_i32 = arith.constant 1 : i32
    %c0_i32 = arith.constant 0 : i32
    %c0_i32_1 = arith.constant 0 : i32
    return %c1_i32, %add3A_0, %c0_i32 : i32, i32, i32
  }
  func.func @transform_8(%arg0: i32) -> (i32, i32, i32) {
    %c0_i32 = arith.constant 0 : i32
    %c0_i32_0 = arith.constant 0 : i32
    %c0_i32_1 = arith.constant 0 : i32
    return %c0_i32, %arg0, %c0_i32_0 : i32, i32, i32
  }
  func.func @transform_9(%arg0: i32) -> (i32, i32) {
    %c0_i32 = arith.constant 0 : i32
    %c0_i32_0 = arith.constant 0 : i32
    %c0_i32_1 = arith.constant 0 : i32
    return %c0_i32, %c0_i32_0 : i32, i32
  }
  func.func @transform_10(%arg0: i32) -> (i32, i32) {
    %c0_i32 = arith.constant 0 : i32
    %c0_i32_0 = arith.constant 0 : i32
    %c0_i32_1 = arith.constant 0 : i32
    return %c0_i32, %c0_i32_0 : i32, i32
  }
  func.func @transform_11(%arg0: i32) -> i32 {
    %c0_i32 = arith.constant 0 : i32
    %c0_i32_0 = arith.constant 0 : i32
    return %c0_i32 : i32
  }
  func.func @transform_12(%arg0: i32) -> i32 {
    %c0_i32 = arith.constant 0 : i32
    %c0_i32_0 = arith.constant 0 : i32
    return %c0_i32 : i32
  }
  func.func @transform_13(%arg0: i32) -> i32 {
    %c0_i32 = arith.constant 0 : i32
    %c0_i32_0 = arith.constant 0 : i32
    return %c0_i32 : i32
  }
  func.func @transform_14(%arg0: i32) -> i32 {
    %c0_i32 = arith.constant 0 : i32
    %c0_i32_0 = arith.constant 0 : i32
    return %c0_i32 : i32
  }
  func.func @transform_15(%arg0: i32) -> (i32, i32, i32) {
    %c0_i32 = arith.constant 0 : i32
    %c0_i32_0 = arith.constant 0 : i32
    %c0_i32_1 = arith.constant 0 : i32
    return %c0_i32, %arg0, %c0_i32_0 : i32, i32, i32
  }
  func.func @transform_16(%arg0: i32) -> (i32, i32, i32) {
    %c0_i32 = arith.constant 0 : i32
    %c0_i32_0 = arith.constant 0 : i32
    %c0_i32_1 = arith.constant 0 : i32
    return %c0_i32, %arg0, %c0_i32_0 : i32, i32, i32
  }
}

module attributes {stable_mosaic.version = 14 : i64} {
  func.func @_tc3_body(%arg0: i32, %arg1: memref<1x1000x128xbf16, #tpu.memory_space<vmem>>, %arg2: memref<1x1000x128xbf16, #tpu.memory_space<vmem>>, %arg3: memref<1x1000x128xbf16, #tpu.memory_space<vmem>>, %arg4: memref<1x1000x128xbf16, #tpu.memory_space<vmem>>, %arg5: memref<1x1000x1xf32, #tpu.memory_space<vmem>>, %arg6: memref<1x1000x1xf32, #tpu.memory_space<vmem>>, %arg7: memref<1x1000x1xf32, #tpu.memory_space<vmem>>, %arg8: memref<1x1000x1xf32, #tpu.memory_space<vmem>>, %arg9: memref<2x1000x64xf32, #tpu.memory_space<vmem>>, %arg10: memref<128xf32, #tpu.memory_space<vmem>>, %arg11: memref<128xf32, #tpu.memory_space<vmem>>, %arg12: memref<1000x128xf32, #tpu.memory_space<vmem>>) attributes {dimension_semantics = [#tpu.dimension_semantics<arbitrary>], iteration_bounds = array<i64: 10>, scalar_prefetch = 0 : i64, scratch_operands = 0 : i64, tpu.core_type = #tpu.core_type<tc>, window_params = [{transform_indices = @transform_0, window_bounds = array<i64: 1, 1000, 128>}, {transform_indices = @transform_1, window_bounds = array<i64: 1, 1000, 128>}, {transform_indices = @transform_2, window_bounds = array<i64: 1, 1000, 128>}, {transform_indices = @transform_3, window_bounds = array<i64: 1, 1000, 128>}, {transform_indices = @transform_4, window_bounds = array<i64: 1, 1000, 1>}, {transform_indices = @transform_5, window_bounds = array<i64: 1, 1000, 1>}, {transform_indices = @transform_6, window_bounds = array<i64: 1, 1000, 1>}, {transform_indices = @transform_7, window_bounds = array<i64: 1, 1000, 1>}, {transform_indices = @transform_8, window_bounds = array<i64: 2, 1000, 64>}, {pipeline_mode = #tpu.pipeline_mode<synchronous>, transform_indices = @transform_9, window_bounds = array<i64: 128>}, {pipeline_mode = #tpu.pipeline_mode<synchronous>, transform_indices = @transform_10, window_bounds = array<i64: 128>}, {transform_indices = @transform_11, window_bounds = array<i64: 1000, 128>}]} {
    %get3A = arith.constant 0 : index
    %get3A_0 = arith.constant 0 : index
    %get3A_1 = arith.constant 0 : index
    %get3A_2 = vector.load %arg5[%get3A, %get3A_0, %get3A_1] : memref<1x1000x1xf32, #tpu.memory_space<vmem>>, vector<1x1000x1xf32>
    %get3A_3 = vector.shape_cast %get3A_2 : vector<1x1000x1xf32> to vector<1000x1xf32>
    %get3A_4 = arith.constant 0 : index
    %get3A_5 = arith.constant 0 : index
    %get3A_6 = arith.constant 0 : index
    %get3A_7 = vector.load %arg6[%get3A_4, %get3A_5, %get3A_6] : memref<1x1000x1xf32, #tpu.memory_space<vmem>>, vector<1x1000x1xf32>
    %get3A_8 = vector.shape_cast %get3A_7 : vector<1x1000x1xf32> to vector<1000x1xf32>
    %add3A = arith.addf %get3A_3, %get3A_8 : vector<1000x1xf32>
    %max3A = arith.constant 1.000000e+00 : f32
    %max3A_9 = vector.broadcast %max3A : f32 to vector<1000x1xf32>
    %max3A_10 = arith.maximumf %add3A, %max3A_9 : vector<1000x1xf32>
    %div3A = arith.constant 1.000000e+00 : f32
    %div3A_11 = vector.broadcast %div3A : f32 to vector<1000x1xf32>
    %div3A_12 = arith.divf %div3A_11, %max3A_10 : vector<1000x1xf32>
    %get3A_13 = arith.constant 0 : index
    %get3A_14 = arith.constant 0 : index
    %get3A_15 = arith.constant 0 : index
    %get3A_16 = vector.load %arg7[%get3A_13, %get3A_14, %get3A_15] : memref<1x1000x1xf32, #tpu.memory_space<vmem>>, vector<1x1000x1xf32>
    %get3A_17 = vector.shape_cast %get3A_16 : vector<1x1000x1xf32> to vector<1000x1xf32>
    %get3A_18 = arith.constant 0 : index
    %get3A_19 = arith.constant 0 : index
    %get3A_20 = arith.constant 0 : index
    %get3A_21 = vector.load %arg8[%get3A_18, %get3A_19, %get3A_20] : memref<1x1000x1xf32, #tpu.memory_space<vmem>>, vector<1x1000x1xf32>
    %get3A_22 = vector.shape_cast %get3A_21 : vector<1x1000x1xf32> to vector<1000x1xf32>
    %add3A_23 = arith.addf %get3A_17, %get3A_22 : vector<1000x1xf32>
    %max3A_24 = arith.constant 1.000000e+00 : f32
    %max3A_25 = vector.broadcast %max3A_24 : f32 to vector<1000x1xf32>
    %max3A_26 = arith.maximumf %add3A_23, %max3A_25 : vector<1000x1xf32>
    %div3A_27 = arith.constant 1.000000e+00 : f32
    %div3A_28 = vector.broadcast %div3A_27 : f32 to vector<1000x1xf32>
    %div3A_29 = arith.divf %div3A_28, %max3A_26 : vector<1000x1xf32>
    %get3A_30 = arith.constant 0 : index
    %get3A_31 = arith.constant 0 : index
    %get3A_32 = arith.constant 0 : index
    %get3A_33 = vector.load %arg1[%get3A_30, %get3A_31, %get3A_32] : memref<1x1000x128xbf16, #tpu.memory_space<vmem>>, vector<1x1000x128xbf16>
    %get3A_34 = vector.shape_cast %get3A_33 : vector<1x1000x128xbf16> to vector<1000x128xbf16>
    %convert_element_type3A = arith.extf %get3A_34 : vector<1000x128xbf16> to vector<1000x128xf32>
    %get3A_35 = arith.constant 0 : index
    %get3A_36 = arith.constant 0 : index
    %get3A_37 = arith.constant 0 : index
    %get3A_38 = vector.load %arg2[%get3A_35, %get3A_36, %get3A_37] : memref<1x1000x128xbf16, #tpu.memory_space<vmem>>, vector<1x1000x128xbf16>
    %get3A_39 = vector.shape_cast %get3A_38 : vector<1x1000x128xbf16> to vector<1000x128xbf16>
    %convert_element_type3A_40 = arith.extf %get3A_39 : vector<1000x128xbf16> to vector<1000x128xf32>
    %add3A_41 = arith.addf %convert_element_type3A, %convert_element_type3A_40 : vector<1000x128xf32>
    %get3A_42 = arith.constant 0 : index
    %get3A_43 = arith.constant 0 : index
    %get3A_44 = arith.constant 0 : index
    %get3A_45 = vector.load %arg3[%get3A_42, %get3A_43, %get3A_44] : memref<1x1000x128xbf16, #tpu.memory_space<vmem>>, vector<1x1000x128xbf16>
    %get3A_46 = vector.shape_cast %get3A_45 : vector<1x1000x128xbf16> to vector<1000x128xbf16>
    %convert_element_type3A_47 = arith.extf %get3A_46 : vector<1000x128xbf16> to vector<1000x128xf32>
    %get3A_48 = arith.constant 0 : index
    %get3A_49 = arith.constant 0 : index
    %get3A_50 = arith.constant 0 : index
    %get3A_51 = vector.load %arg4[%get3A_48, %get3A_49, %get3A_50] : memref<1x1000x128xbf16, #tpu.memory_space<vmem>>, vector<1x1000x128xbf16>
    %get3A_52 = vector.shape_cast %get3A_51 : vector<1x1000x128xbf16> to vector<1000x128xbf16>
    %convert_element_type3A_53 = arith.extf %get3A_52 : vector<1000x128xbf16> to vector<1000x128xf32>
    %add3A_54 = arith.addf %convert_element_type3A_47, %convert_element_type3A_53 : vector<1000x128xf32>
    %slice3A = vector.extract_strided_slice %add3A_41 {offsets = [0, 0], sizes = [1000, 64], strides = [1, 1]} : vector<1000x128xf32> to vector<1000x64xf32>
    %mul3A = vector.broadcast %div3A_12 : vector<1000x1xf32> to vector<1000x64xf32>
    %mul3A_55 = arith.mulf %slice3A, %mul3A : vector<1000x64xf32>
    %slice3A_56 = vector.extract_strided_slice %add3A_54 {offsets = [0, 0], sizes = [1000, 64], strides = [1, 1]} : vector<1000x128xf32> to vector<1000x64xf32>
    %mul3A_57 = vector.broadcast %div3A_29 : vector<1000x1xf32> to vector<1000x64xf32>
    %mul3A_58 = arith.mulf %slice3A_56, %mul3A_57 : vector<1000x64xf32>
    %add3A_59 = arith.addf %mul3A_55, %mul3A_58 : vector<1000x64xf32>
    %get3A_60 = arith.constant 0 : index
    %get3A_61 = arith.constant 0 : index
    %get3A_62 = arith.constant 0 : index
    %get3A_63 = vector.load %arg9[%get3A_60, %get3A_61, %get3A_62] : memref<2x1000x64xf32, #tpu.memory_space<vmem>>, vector<1x1000x64xf32>
    %get3A_64 = vector.shape_cast %get3A_63 : vector<1x1000x64xf32> to vector<1000x64xf32>
    %add3A_65 = arith.addf %add3A_59, %get3A_64 : vector<1000x64xf32>
    %slice3A_66 = vector.extract_strided_slice %add3A_41 {offsets = [0, 64], sizes = [1000, 64], strides = [1, 1]} : vector<1000x128xf32> to vector<1000x64xf32>
    %mul3A_67 = vector.broadcast %div3A_12 : vector<1000x1xf32> to vector<1000x64xf32>
    %mul3A_68 = arith.mulf %slice3A_66, %mul3A_67 : vector<1000x64xf32>
    %slice3A_69 = vector.extract_strided_slice %add3A_54 {offsets = [0, 64], sizes = [1000, 64], strides = [1, 1]} : vector<1000x128xf32> to vector<1000x64xf32>
    %mul3A_70 = vector.broadcast %div3A_29 : vector<1000x1xf32> to vector<1000x64xf32>
    %mul3A_71 = arith.mulf %slice3A_69, %mul3A_70 : vector<1000x64xf32>
    %add3A_72 = arith.addf %mul3A_68, %mul3A_71 : vector<1000x64xf32>
    %get3A_73 = arith.constant 1 : index
    %get3A_74 = arith.constant 0 : index
    %get3A_75 = arith.constant 0 : index
    %get3A_76 = vector.load %arg9[%get3A_73, %get3A_74, %get3A_75] : memref<2x1000x64xf32, #tpu.memory_space<vmem>>, vector<1x1000x64xf32>
    %get3A_77 = vector.shape_cast %get3A_76 : vector<1x1000x64xf32> to vector<1000x64xf32>
    %add3A_78 = arith.addf %add3A_72, %get3A_77 : vector<1000x64xf32>
    %max3A_79 = arith.constant 0.000000e+00 : f32
    %max3A_80 = vector.broadcast %max3A_79 : f32 to vector<1000x64xf32>
    %max3A_81 = arith.maximumf %add3A_65, %max3A_80 : vector<1000x64xf32>
    %max3A_82 = arith.constant 0.000000e+00 : f32
    %max3A_83 = vector.broadcast %max3A_82 : f32 to vector<1000x64xf32>
    %max3A_84 = arith.maximumf %add3A_78, %max3A_83 : vector<1000x64xf32>
    %reduce_sum3A = arith.constant dense<0.000000e+00> : vector<1000xf32>
    %reduce_sum3A_85 = vector.multi_reduction <add>, %max3A_81, %reduce_sum3A [1] : vector<1000x64xf32> to vector<1000xf32>
    %broadcast_in_dim3A = vector.shape_cast %reduce_sum3A_85 : vector<1000xf32> to vector<1000x1xf32>
    %reduce_sum3A_86 = arith.constant dense<0.000000e+00> : vector<1000xf32>
    %reduce_sum3A_87 = vector.multi_reduction <add>, %max3A_84, %reduce_sum3A_86 [1] : vector<1000x64xf32> to vector<1000xf32>
    %broadcast_in_dim3A_88 = vector.shape_cast %reduce_sum3A_87 : vector<1000xf32> to vector<1000x1xf32>
    %add3A_89 = arith.addf %broadcast_in_dim3A, %broadcast_in_dim3A_88 : vector<1000x1xf32>
    %div3A_90 = arith.constant 1.280000e+02 : f32
    %div3A_91 = vector.broadcast %div3A_90 : f32 to vector<1000x1xf32>
    %div3A_92 = arith.divf %add3A_89, %div3A_91 : vector<1000x1xf32>
    %sub3A = vector.broadcast %div3A_92 : vector<1000x1xf32> to vector<1000x64xf32>
    %sub3A_93 = arith.subf %max3A_81, %sub3A : vector<1000x64xf32>
    %sub3A_94 = vector.broadcast %div3A_92 : vector<1000x1xf32> to vector<1000x64xf32>
    %sub3A_95 = arith.subf %max3A_84, %sub3A_94 : vector<1000x64xf32>
    %mul3A_96 = arith.mulf %sub3A_93, %sub3A_93 : vector<1000x64xf32>
    %reduce_sum3A_97 = arith.constant dense<0.000000e+00> : vector<1000xf32>
    %reduce_sum3A_98 = vector.multi_reduction <add>, %mul3A_96, %reduce_sum3A_97 [1] : vector<1000x64xf32> to vector<1000xf32>
    %broadcast_in_dim3A_99 = vector.shape_cast %reduce_sum3A_98 : vector<1000xf32> to vector<1000x1xf32>
    %mul3A_100 = arith.mulf %sub3A_95, %sub3A_95 : vector<1000x64xf32>
    %reduce_sum3A_101 = arith.constant dense<0.000000e+00> : vector<1000xf32>
    %reduce_sum3A_102 = vector.multi_reduction <add>, %mul3A_100, %reduce_sum3A_101 [1] : vector<1000x64xf32> to vector<1000xf32>
    %broadcast_in_dim3A_103 = vector.shape_cast %reduce_sum3A_102 : vector<1000xf32> to vector<1000x1xf32>
    %add3A_104 = arith.addf %broadcast_in_dim3A_99, %broadcast_in_dim3A_103 : vector<1000x1xf32>
    %div3A_105 = arith.constant 1.280000e+02 : f32
    %div3A_106 = vector.broadcast %div3A_105 : f32 to vector<1000x1xf32>
    %div3A_107 = arith.divf %add3A_104, %div3A_106 : vector<1000x1xf32>
    %add3A_108 = arith.constant 9.99999974E-6 : f32
    %add3A_109 = vector.broadcast %add3A_108 : f32 to vector<1000x1xf32>
    %add3A_110 = arith.addf %div3A_107, %add3A_109 : vector<1000x1xf32>
    %rsqrt3A = math.rsqrt %add3A_110 : vector<1000x1xf32>
    %get3A_111 = arith.constant 0 : index
    %get3A_112 = vector.load %arg10[%get3A_111] : memref<128xf32, #tpu.memory_space<vmem>>, vector<128xf32>
    %get3A_113 = arith.constant 0 : index
    %get3A_114 = vector.load %arg11[%get3A_113] : memref<128xf32, #tpu.memory_space<vmem>>, vector<128xf32>
    %mul3A_115 = vector.broadcast %rsqrt3A : vector<1000x1xf32> to vector<1000x64xf32>
    %mul3A_116 = arith.mulf %sub3A_93, %mul3A_115 : vector<1000x64xf32>
    %slice3A_117 = vector.extract_strided_slice %get3A_112 {offsets = [0], sizes = [64], strides = [1]} : vector<128xf32> to vector<64xf32>
    %broadcast_in_dim3A_118 = vector.shape_cast %slice3A_117 : vector<64xf32> to vector<1x64xf32>
    %mul3A_119 = vector.broadcast %broadcast_in_dim3A_118 : vector<1x64xf32> to vector<1000x64xf32>
    %mul3A_120 = arith.mulf %mul3A_116, %mul3A_119 : vector<1000x64xf32>
    %slice3A_121 = vector.extract_strided_slice %get3A_114 {offsets = [0], sizes = [64], strides = [1]} : vector<128xf32> to vector<64xf32>
    %broadcast_in_dim3A_122 = vector.shape_cast %slice3A_121 : vector<64xf32> to vector<1x64xf32>
    %add3A_123 = vector.broadcast %broadcast_in_dim3A_122 : vector<1x64xf32> to vector<1000x64xf32>
    %add3A_124 = arith.addf %mul3A_120, %add3A_123 : vector<1000x64xf32>
    %mul3A_125 = vector.broadcast %rsqrt3A : vector<1000x1xf32> to vector<1000x64xf32>
    %mul3A_126 = arith.mulf %sub3A_95, %mul3A_125 : vector<1000x64xf32>
    %slice3A_127 = vector.extract_strided_slice %get3A_112 {offsets = [64], sizes = [64], strides = [1]} : vector<128xf32> to vector<64xf32>
    %broadcast_in_dim3A_128 = vector.shape_cast %slice3A_127 : vector<64xf32> to vector<1x64xf32>
    %mul3A_129 = vector.broadcast %broadcast_in_dim3A_128 : vector<1x64xf32> to vector<1000x64xf32>
    %mul3A_130 = arith.mulf %mul3A_126, %mul3A_129 : vector<1000x64xf32>
    %slice3A_131 = vector.extract_strided_slice %get3A_114 {offsets = [64], sizes = [64], strides = [1]} : vector<128xf32> to vector<64xf32>
    %broadcast_in_dim3A_132 = vector.shape_cast %slice3A_131 : vector<64xf32> to vector<1x64xf32>
    %add3A_133 = vector.broadcast %broadcast_in_dim3A_132 : vector<1x64xf32> to vector<1000x64xf32>
    %add3A_134 = arith.addf %mul3A_130, %add3A_133 : vector<1000x64xf32>
    %swap3A = arith.constant 0 : index
    %swap3A_135 = arith.constant 0 : index
    %swap3A_136 = vector.load %arg12[%swap3A, %swap3A_135] : memref<1000x128xf32, #tpu.memory_space<vmem>>, vector<1000x64xf32>
    tpu.vector_store %arg12[%swap3A, %swap3A_135], %add3A_124 {strides = array<i32>} : memref<1000x128xf32, #tpu.memory_space<vmem>>, vector<1000x64xf32>,
    %swap3A_137 = arith.constant 0 : index
    %swap3A_138 = arith.constant 64 : index
    %swap3A_139 = vector.load %arg12[%swap3A_137, %swap3A_138] : memref<1000x128xf32, #tpu.memory_space<vmem>>, vector<1000x64xf32>
    tpu.vector_store %arg12[%swap3A_137, %swap3A_138], %add3A_134 {strides = array<i32>} : memref<1000x128xf32, #tpu.memory_space<vmem>>, vector<1000x64xf32>,
    return
  }
  func.func @transform_0(%arg0: i32) -> (i32, i32, i32) {
    %c0_i32 = arith.constant 0 : i32
    %c0_i32_0 = arith.constant 0 : i32
    %c0_i32_1 = arith.constant 0 : i32
    return %c0_i32, %arg0, %c0_i32_0 : i32, i32, i32
  }
  func.func @transform_1(%arg0: i32) -> (i32, i32, i32) {
    %c1_i32 = arith.constant 1 : i32
    %c0_i32 = arith.constant 0 : i32
    %c0_i32_0 = arith.constant 0 : i32
    return %c1_i32, %arg0, %c0_i32 : i32, i32, i32
  }
  func.func @transform_2(%arg0: i32) -> (i32, i32, i32) {
    %add3A = arith.constant 10 : i32
    %add3A_0 = arith.addi %arg0, %add3A : i32
    %c0_i32 = arith.constant 0 : i32
    %c0_i32_1 = arith.constant 0 : i32
    %c0_i32_2 = arith.constant 0 : i32
    return %c0_i32, %add3A_0, %c0_i32_1 : i32, i32, i32
  }
  func.func @transform_3(%arg0: i32) -> (i32, i32, i32) {
    %add3A = arith.constant 10 : i32
    %add3A_0 = arith.addi %arg0, %add3A : i32
    %c1_i32 = arith.constant 1 : i32
    %c0_i32 = arith.constant 0 : i32
    %c0_i32_1 = arith.constant 0 : i32
    return %c1_i32, %add3A_0, %c0_i32 : i32, i32, i32
  }
  func.func @transform_4(%arg0: i32) -> (i32, i32, i32) {
    %c0_i32 = arith.constant 0 : i32
    %c0_i32_0 = arith.constant 0 : i32
    %c0_i32_1 = arith.constant 0 : i32
    return %c0_i32, %arg0, %c0_i32_0 : i32, i32, i32
  }
  func.func @transform_5(%arg0: i32) -> (i32, i32, i32) {
    %c1_i32 = arith.constant 1 : i32
    %c0_i32 = arith.constant 0 : i32
    %c0_i32_0 = arith.constant 0 : i32
    return %c1_i32, %arg0, %c0_i32 : i32, i32, i32
  }
  func.func @transform_6(%arg0: i32) -> (i32, i32, i32) {
    %add3A = arith.constant 10 : i32
    %add3A_0 = arith.addi %arg0, %add3A : i32
    %c0_i32 = arith.constant 0 : i32
    %c0_i32_1 = arith.constant 0 : i32
    %c0_i32_2 = arith.constant 0 : i32
    return %c0_i32, %add3A_0, %c0_i32_1 : i32, i32, i32
  }
  func.func @transform_7(%arg0: i32) -> (i32, i32, i32) {
    %add3A = arith.constant 10 : i32
    %add3A_0 = arith.addi %arg0, %add3A : i32
    %c1_i32 = arith.constant 1 : i32
    %c0_i32 = arith.constant 0 : i32
    %c0_i32_1 = arith.constant 0 : i32
    return %c1_i32, %add3A_0, %c0_i32 : i32, i32, i32
  }
  func.func @transform_8(%arg0: i32) -> (i32, i32, i32) {
    %c0_i32 = arith.constant 0 : i32
    %c0_i32_0 = arith.constant 0 : i32
    %c0_i32_1 = arith.constant 0 : i32
    return %c0_i32, %arg0, %c0_i32_0 : i32, i32, i32
  }
  func.func @transform_9(%arg0: i32) -> i32 {
    %c0_i32 = arith.constant 0 : i32
    %c0_i32_0 = arith.constant 0 : i32
    return %c0_i32 : i32
  }
  func.func @transform_10(%arg0: i32) -> i32 {
    %c0_i32 = arith.constant 0 : i32
    %c0_i32_0 = arith.constant 0 : i32
    return %c0_i32 : i32
  }
  func.func @transform_11(%arg0: i32) -> (i32, i32) {
    %c0_i32 = arith.constant 0 : i32
    %c0_i32_0 = arith.constant 0 : i32
    return %arg0, %c0_i32 : i32, i32
  }
}

</mosaic_0001>

<sc_bundles>
// kernel: kernel.10.cloned.1.call-start
scs
__scs_entry_jumppad:
0x0: {  	(pc) =	sbr.rel $0x88, $3  }
0x1: {  	(tag) =	ssettag $0x0;
	lr =	simm.s32 $0x1  }
0x2: {  	[smem:$0x3F92] =	sst lr;
	_ =	strace $0xD0000000  }
0x3: {  	_ = 	snop  }
0x4: {  	_ = 	snop  }
0x5: {  	_ = 	snop  }
0x6: {  	_ = 	snop  }
0x7: {  	_ = 	snop  }
__scs_overlays_trampoline_lowered:
0x8: {  	[smem:$0x3FA1] =	sst s0  }
0x9: {  	[smem:$0x3FA2] =	sst s1  }
0xa: {  	[smem:$0x3FA3] =	sst s2  }
0xb: {  	[smem:$0x3FA4] =	sst s3  }
0xc: {  	[smem:$0x3FA5] =	sst s4  }
0xd: {  	[smem:$0x3FA6] =	sst s5  }
0xe: {  	[smem:$0x3FA7] =	sst s6  }
0xf: {  	[smem:$0x3FA8] =	sst s7  }
0x10: {  	[smem:$0x3FA9] =	sst s8  }
0x11: {  	[smem:$0x3FAA] =	sst s9;
	s0 =	simm.s32 @!p0 $0x0  }
0x12: {  	s1 =	sld [smem:$0x3F90];
	s0 =	simm.s32 @p0 $0x1  }
0x13: {  	[smem:$0x3FAB] =	sst s0;
	s0 =	simm.s32 @!p1 $0x0  }
0x14: {  	s2 =	sld [smem:$0x3F8F];
	s0 =	simm.s32 @p1 $0x1  }
0x15: {  	[smem:$0x3FAC] =	sst s0;
	s0 =	simm.s32 @!p2 $0x0  }
0x16: {  	s3 =	sld [smem:$0x3FDB];
	s0 =	simm.s32 @p2 $0x1  }
0x17: {  	s4 =	simm.s32 $0x1BF5;
	[smem:$0x3FAE] =	sst s0  }
0x18: {  	s0 =	sld [smem:$0x3F91];
	_ =	swait.ge [sflag:s4], $0x0  }
0x19: {  	s7 =	sld [smem:$0x3F92]  }
0x1a: {  	s8 =	sadd.s32 $0xFFFFE003, lr  }
0x1b: {  	s9 =	sadd.s32 $0xFFFFFEF7, lr;
	s5 =	simm.s32 $0xFFFFFFFF;
	p2 =	slt.u32 s8, $0xFFFFF086  }
0x1c: {  	p1 =	slt.u32 s9, $0xF7A;
	s5 =	simm.s32 @!p2 $0x0  }
0x1d: {  	s5 =	simm.s32 @p1 $0x1;
	p0 =	seq.s32 s7, s2  }
0x1e: {  	s7 =	smul.u32 @!p0 $0xF7A, s2;
	p2 =	seq.s32 @!p0 s5, $0x0  }
0x1f: {  	s9 =	smul.u32 $0xF7A, s1;
	s8 =	simm.s32 @!p0 $0x1BF5;
	p2 =	por !p2, p0  }
0x20: {  	[sflag:s8] =	ssyncset.s32 @!p0 $0xFFFFF086;
	s6 =	sadd.s32 @!p0 s3, s7;
	s7 =	simm.s32 @!p0 $0x108  }
0x21: {  	s3 =	sadd.s32 s3, s9;
	s6 =	sadd.s32 @!p0 $0x88, s6;
	s7 =	simm.s32 @p2 $0x1082  }
0x22: {  	[simem:s7], [sflag:s8] =	dma.local @!p0 [hbm:s6], $0xF7A  }
0x23: {  	s9 =	sor.u32 $0xD0000000, s2;
	s6 =	simm.s32 $0x108;
	_ =	swait.ge @!p0 [sflag:s8], $0x0  }
0x24: {  	s3 =	sadd.s32 $0x88, s3;
	s6 =	simm.s32 @!p1 $0x1082;
	[sflag:s4] =	ssyncset.s32 $0xFFFFF086  }
0x25: {  	[simem:s6], [sflag:s4] =	dma.local [hbm:s3], $0xF7A  }
0x26: {  	[smem:$0x3F92] =	sst s1;
	(tag) =	ssettag s2;
	_ =	strace s9  }
0x27: {  	s1 =	sld [smem:$0x3FA2]  }
0x28: {  	s2 =	sld [smem:$0x3FA3]  }
0x29: {  	s4 =	sld [smem:$0x3FA5]  }
0x2a: {  	p0 =	seq.s32 s5, $0x0;
	s5 =	sld [smem:$0x3FA6]  }
0x2b: {  	s6 =	sld [smem:$0x3FA7]  }
0x2c: {  	s7 =	sld [smem:$0x3FA8]  }
0x2d: {  	s3 =	simm.s32 $0x108;
	s8 =	sld [smem:$0x3FA9]  }
0x2e: {  	s3 =	simm.s32 @!p0 $0x1082;
	s9 =	sld [smem:$0x3FAA]  }
0x2f: {  	lr =	sadd.s32 s0, s3;
	s0 =	sld [smem:$0x3FA1]  }
0x30: {  	s3 =	sld [smem:$0x3FA4]  }
0x31: {  	[smem:$0x3FAD] =	sst s10  }
0x32: {  	s10 =	sld [smem:$0x3FAB];
	_ =	sdelay $0x3  }
0x33: {  	p0 =	seq.s32 s10, $0x1;
	s10 =	sld [smem:$0x3FAD];
	_ =	sdelay $0x3  }
0x34: {  	[smem:$0x3FAD] =	sst s10  }
0x35: {  	s10 =	sld [smem:$0x3FAC];
	_ =	sdelay $0x3  }
0x36: {  	p1 =	seq.s32 s10, $0x1;
	s10 =	sld [smem:$0x3FAD];
	_ =	sdelay $0x3  }
0x37: {  	[smem:$0x3FAD] =	sst s10  }
0x38: {  	s10 =	sld [smem:$0x3FAE]  }
0x39: {  	_ = 	snop;
	(pc) =	sbr.ind lr, $3  }
0x3a: {  	_ = 	snop  }
0x3b: {  	_ = 	snop  }
0x3c: {  	p2 =	seq.s32 s10, $0x1;
	s10 =	sld [smem:$0x3FAD]  }
0x3d: {  	_ =	shalt  }
0x3e: {  	_ =	shalt  }
0x3f: {  	_ =	shalt  }
0x40: {  	_ =	shalt  }
0x41: {  	_ =	shalt  }
0x42: {  	_ =	shalt  }
0x43: {  	_ =	shalt  }
0x44: {  	_ =	shalt  }
0x45: {  	_ =	shalt  }
0x46: {  	_ =	shalt  }
0x47: {  	_ =	shalt  }
0x48: {  	_ =	shalt  }
0x49: {  	_ =	shalt  }
0x4a: {  	_ =	shalt  }
0x4b: {  	_ =	shalt  }
0x4c: {  	_ =	shalt  }
0x4d: {  	_ =	shalt  }
0x4e: {  	_ =	shalt  }
0x4f: {  	_ =	shalt  }
0x50: {  	_ =	shalt  }
0x51: {  	_ =	shalt  }
0x52: {  	_ =	shalt  }
0x53: {  	_ =	shalt  }
0x54: {  	_ =	shalt  }
0x55: {  	_ =	shalt  }
0x56: {  	_ =	shalt  }
0x57: {  	_ =	shalt  }
0x58: {  	_ =	shalt  }
0x59: {  	_ =	shalt  }
0x5a: {  	_ =	shalt  }
0x5b: {  	_ =	shalt  }
0x5c: {  	_ =	shalt  }
0x5d: {  	_ =	shalt  }
0x5e: {  	_ =	shalt  }
0x5f: {  	_ =	shalt  }
0x60: {  	_ =	shalt  }
0x61: {  	_ =	shalt  }
0x62: {  	_ =	shalt  }
0x63: {  	_ =	shalt  }
0x64: {  	_ =	shalt  }
0x65: {  	_ =	shalt  }
0x66: {  	_ =	shalt  }
0x67: {  	_ =	shalt  }
0x68: {  	_ =	shalt  }
0x69: {  	_ =	shalt  }
0x6a: {  	_ =	shalt  }
0x6b: {  	_ =	shalt  }
0x6c: {  	_ =	shalt  }
0x6d: {  	_ =	shalt  }
0x6e: {  	_ =	shalt  }
0x6f: {  	_ =	shalt  }
0x70: {  	_ =	shalt  }
0x71: {  	_ =	shalt  }
0x72: {  	_ =	shalt  }
0x73: {  	_ =	shalt  }
0x74: {  	_ =	shalt  }
0x75: {  	_ =	shalt  }
0x76: {  	_ =	shalt  }
0x77: {  	_ =	shalt  }
0x78: {  	_ =	shalt  }
0x79: {  	_ =	shalt  }
0x7a: {  	_ =	shalt  }
0x7b: {  	_ =	shalt  }
0x7c: {  	_ =	shalt  }
0x7d: {  	_ =	shalt  }
0x7e: {  	_ =	shalt  }
0x7f: {  	_ =	shalt  }
0x80: {  	_ =	shalt  }
0x81: {  	_ =	shalt  }
0x82: {  	_ =	shalt  }
0x83: {  	_ =	shalt  }
0x84: {  	_ =	shalt  }
0x85: {  	_ =	shalt  }
0x86: {  	_ =	shalt  }
0x87: {  	_ =	shalt  }
.Lfunc_end0:
.L_simem_size_0:
called_computation.1_lowered:
.L_overlay_start_0:
0x88: {  	s2 =	sld [smem:$0x3FD9]  }
0x89: {  	s3 =	sld [smem:$0x3FFE];
	_ =	sdelay $0x1  }
0x8a: {  	s1 =	srdreg.scid  }
0x8b: {  	s0 =	sand.u32 $0x1, s1  }
0x8c: {  	s17 =	sshll.u32 s0, $0xA;
	s2 =	sadd.s32 s3, s2  }
0x8d: {  	s2 =	sadd.s32 s2, s17  }
0x8e: {  	[smem:$0x3FB9] =	sst s2  }
0x8f: {  	_ = 	snop  }
0x90: {  	s2 =	sld [smem:$0x3FC7]  }
0x91: {  	s18 =	sld [smem:$0x3FD0];
	(tm) =	ssettm $0x1  }
0x92: {  	s4 =	sld [smem:$0x3FFB];
	_ =	sdelay $0x3  }
0x93: {  	_ =	strace s4  }
0x94: {  	s4 =	sld [smem:$0x3FFC];
	_ =	sdelay $0x3  }
0x95: {  	_ =	strace s4  }
0x96: {  	s4 =	sld [smem:$0x3FFD];
	_ =	sdelay $0x3  }
0x97: {  	_ =	strace s4  }
0x98: {  	_ =	strace $0x8FFFFFFF  }
0x99: {  	s19 =	sld [smem:$0x3FDB];
	_ =	sdelay $0x1  }
0x9a: {  	s5 =	simm.s32 $_scs_section_size  }
0x9b: {  	s6 =	simm.s32 $_size__tile_overlayer_lowered;
	s7 =	simm.s32 $_tile_overlayer_lowered  }
0x9c: {  	s22 =	simm.s32 $0x1BFF;
	s21 =	sshll.u32 s7, $0x1;
	s4 =	sadd.s32 s5, s19  }
0x9d: {  	s8 =	simm.s32 $0x0;
	s20 =	sshll.u32 s6, $0x1;
	s6 =	sadd.s32 s21, s4  }
0x9e: {  	[timem:s8], [sflag:s22] =	dma.local [hbm:s6], s20  }
0x9f: {  	_ =	swait.ge [sflag:s22], s20  }
0xa0: {  	s5 =	ssub.s32 $0x0, s20;
	[sflag:s22] =	ssyncset.done $0x0  }
0xa1: {  	[sflag:s22] =	ssyncadd.s32 s5;
	_ =	sdelay $0x1  }
0xa2: {  	s23 =	simm.s32 $0x1B8B  }
0xa3: {  	_ =	swait.ge [sflag:s23], $0x1  }
0xa4: {  	[sflag:s23] =	ssyncset.done $0x0  }
0xa5: {  	s25 =	simm.s32 $0x1B8E;
	s24 =	sld [smem:$0x3FFE];
	[sflag:s23] =	ssyncadd.s32 $0xFFFFFFFF  }
0xa6: {  	s26 =	simm.s32 $execute0_lowered;
	[smem:$0x3FD2] =	sst s25  }
0xa7: {  	s6 =	sshll.u32 s26, $0x1;
	_ =	strace $0x80000049;
	[dreg:$0x1] =	wrdreg $0xFFFFFFFF  }
0xa8: {  	s28 =	simm.s32 $_size_execute0_lowered;
	s4 =	sadd.s32 s4, s6;
	[dreg:$0x0] =	wrdreg $0x0  }
0xa9: {  	s6 =	sshll.u32 s28, $0x1;
	[dreg:$0x2] =	wrdreg s4  }
0xaa: {  	[dreg:$0x3] =	wrdreg s6  }
0xab: {  	[dreg:$0x4] =	wrdreg $0xC0  }
0xac: {  	_ =	task [dreg:s8], $0x5FFFF  }
0xad: {  	[dreg:$0x1] =	wrdreg $0xFFFFFFFF  }
0xae: {  	[dreg:$0x0] =	wrdreg $0x60  }
0xaf: {  	[dreg:$0x2] =	wrdreg s18  }
0xb0: {  	[dreg:$0x3] =	wrdreg s24  }
0xb1: {  	[dreg:$0x4] =	wrdreg s2  }
0xb2: {  	[dreg:$0x5] =	wrdreg $0x4F100  }
0xb3: {  	[dreg:$0x6] =	wrdreg $0x9  }
0xb4: {  	_ =	task.clear_ibuf [dreg:s8], $0x7FFFF;
	_ =	strace $0x90000049  }
0xb5: {  	s29 =	simm.s32 $0x9;
	_ =	strace $0x8000004B  }
0xb6: {  	_ =	swait.ge [sflag:s29], $0x1  }
0xb7: {  	[sflag:s29] =	ssyncadd.s32 $0xFFFFFFFF  }
0xb8: {  	_ =	strace $0x9000004B  }
0xb9: {  	_ =	sfence  }
0xba: {  	s30 =	sld [smem:$0x0];
	_ =	sdelay $0x2  }
0xbb: {  	s31 =	sshll.u32 s1, $0xD;
	s1 =	sshrl.u32 s1, $0x2  }
0xbc: {  	s3 =	sand.u32 $0x4000, s31;
	s1 =	sadd.s32 s1, s30  }
0xbd: {  	s0 =	sor.u32 s3, s0;
	s1 =	sshll.u32 s1, $0x11  }
0xbe: {  	s0 =	sor.u32 s1, s0  }
0xbf: {  	s0 =	sadd.s32 $0x8F2B, s0  }
0xc0: {  	[sflag:s0] =	ssyncadd.remote.s32 $0x1  }
0xc1: {  	_ =	sfence.sel $0xFFFF  }
0xc2: {  	[dreg:$0x0] =	wrdreg $0xFFFFFFFF;
	(pc) =	sbr.abs _section_cstart, $3  }
0xc3: {  	[dreg:$0x1] =	wrdreg $0xFFFFFFFF  }
0xc4: {  	_ =	task.clear_ibuf [dreg:s8], $0x2FFFF;
	_ =	strace $0x9FFFFFFF  }
0xc5: {  	(tm) =	ssettm $0x7FFFFFFF  }
tec
execute0_lowered:
.L_overlay_start_1:
0x0: {  	(tag) =	ssettag $0x1  }
0x1: {  	s1 =	rddreg [dreg:$0x0]  }
0x2: {  	s8 =	rddreg [dreg:$0x1]  }
0x3: {  	s3 =	rddreg [dreg:$0x2]  }
0x4: {  	s4 =	rddreg [dreg:$0x3]  }
0x5: {  	s0 =	rddreg [dreg:$0x4];
	s2 =	stileid.u32  }
0x6: {  	s6 =	srdreg.scid;
	s5 =	simm.s32 $0x0;
	s15 =	simm.s32 $0x50  }
0x7: {  	s16 =	simm.s32 $0x1770;
	s17 =	simm.s32 $0x2710;
	s18 =	simm.s32 $0x1  }
0x8: {  	s19 =	simm.s32 $0x3B10;
	s20 =	simm.s32 $0x2;
	s21 =	simm.s32 $0x26C0  }
0x9: {  	s9 =	smul.u32 $0x28000, s2;
	s10 =	sand.u32 $0x1, s6;
	[smem:$0x7FF] =	sst s5  }
0xa: {  	s6 =	sadd.s32 $0xC400, s8;
	s7 =	sadd.s32 $0x2600, s8;
	s30 =	sshll.u32 s2, $0x1  }
0xb: {  	s31 =	sshll.u32 s2, $0x6;
	s11 =	smul.u32 $0x280000, s10;
	_ =	strace $0x8000004A  }
0xc: {  	s13 =	ssub.s32 $0x2, s10;
	s10 =	sor.u32 s10, s30;
	s12 =	sshrl.u32 s9, $0x4  }
0xd: {  	s14 =	sshrl.u32 s13, $0x1;
	s28 =	sshrl.u32 s9, $0x1;
	s10 =	smul.u32 $0x2710, s10  }
0xe: {  	s11 =	sadd.s32 s9, s11;
	s12 =	sadd.s32 s12, s8;
	s13 =	ssub.s32 s13, s14  }
0xf: {  	s29 =	sadd.s32 s28, s4;
	s9 =	sor.u32 $0x1C03, s31;
	s11 =	sshrl.u32 s11, $0x4  }
0x10: {  	s14 =	simm.s32 $0x3;
	s11 =	sadd.s32 s11, s8;
	s8 =	sadd.s32 $0xA1C00, s12  }
0x11: {  	v0 =	vimm.s32 $0x0;
	s12 =	smax.u32 s13, $0x1;
	s13 =	sshrl.u32 s29, $0x3;
	s11 =	sadd.s32 $0x16200, s11  }
.LBB2_1:
0x12: {  	[spmem:s13], [sflag:s9] =	dma.local [hbm:s8], $0x2800  }
0x13: {  	_ =	swait.ge [sflag:s14], $0x2800  }
0x14: {  	[sflag:s14] =	ssyncset.done $0x0  }
0x15: {  	[sflag:s14] =	ssyncadd.s32 $0xFFFFD800  }
0x16: {  	s22 =	simm.s32 $0x0;
	[bflag:$0x0] =	sbarrier.arrive $0xFFFF  }
.LBB2_2:
0x17: {  	s23 =	smul.u32 $0x7D0, s22;
	_ =	sdelay $0x1  }
0x18: {  	s23 =	sadd.s32 s10, s23  }
0x19: {  	s24 =	sshrl.u32 s23, $0x3  }
0x1a: {  	s25 =	simm.s32 $0x0;
	s23 =	sadd.s32 s6, s24  }
0x1b: {  	[tilespmem:s25], [sflag:$0x3] =	stream.linear.gather [hbm4b:s23+s25], $0x7D0, $0x38;
	[tilespmem:$0x18F10] =	vst v63  }
0x1c: {  	_ =	swait.ge [sflag:s14], $0x7D0  }
0x1d: {  	[sflag:s14] =	ssyncset.done $0x0  }
0x1e: {  	s26 =	sadd.s32 s7, s24;
	s23 =	simm.s32 $0x7D0;
	[sflag:s14] =	ssyncadd.s32 $0xFFFFF830  }
0x1f: {  	[tilespmem:s23], [sflag:$0x3] =	stream.linear.gather [hbm4b:s26+s25], $0x7D0, $0x38;
	[tilespmem:$0x18F10] =	vst v63  }
0x20: {  	_ =	swait.ge [sflag:s14], $0x7D0  }
0x21: {  	[sflag:s14] =	ssyncset.done $0x0  }
0x22: {  	s31 =	simm.s32 $0xFA0;
	s24 =	sadd.s32 s3, s24;
	[sflag:s14] =	ssyncadd.s32 $0xFFFFF830  }
0x23: {  	[tilespmem:s31], [sflag:$0x3] =	stream.linear.gather [hbm4b:s24+s25], $0x7D0, $0x38;
	[tilespmem:$0x18F10] =	vst v63  }
0x24: {  	_ =	swait.ge [sflag:s14], $0x7D0  }
0x25: {  	[sflag:s14] =	ssyncset.done $0x0  }
0x26: {  	s30 =	smul.u32 $0xCD, s25;
	[sflag:s14] =	ssyncadd.s32 $0xFFFFF830  }
0x27: {  	v1 =	vld [tilespmem:s31+$0x0]  }
0x28: {  	s24 =	sshrl.u32 s30, $0xA;
	v2 =	vld [tilespmem:s25+$0x0]  }
0x29: {  	s31 =	smul.u32 $0x5, s24;
	v3 =	vld [tilespmem:s23+$0x0];
	_ =	sdelay $0x1  }
0x2a: {  	s24 =	sand.u32 $0x3F, s24;
	s25 =	ssub.s32 $0x0, s31  }
0x2b: {  	s24 =	smul.u32 $0x50, s24;
	s25 =	sshll.u32 s25, $0x4;
	vm0 =	vlt.f32 v1, $0.0e+00  }
0x2c: {  	s25 =	sand.u32 $0xF0, s25;
	v4 =	vsel vm0, $0x2710, v0  }
0x2d: {  	s25 =	sadd.s32 s25, s24;
	vm15 =	veq.f32 v1, $0.0e+00;
	v2 =	vadd.s32 v2, v4;
	v1 =	vadd.s32 v3, v4  }
0x2e: {  	s24 =	simm.s32 $0x1;
	[tilespmem:s25+$0x1770] =	vst v2;
	v1 =	vsel vm15, $0x4E20, v1  }
0x2f: {  	s29 =	smul.u32 $0xCD, s24;
	[tilespmem:s25+$0x1F40] =	vst v1;
	s25 =	simm.s32 $0xFB0  }
0x30: {  	s28 =	simm.s32 $0x2;
	s26 =	simm.s32 $0x10;
	v1 =	vld [tilespmem:s25+$0x0]  }
.LBB2_3:
0x31: {  	p0 =	sne.s32 s28, $0x7C;
	s29 =	sshrl.u32 s29, $0xA;
	v2 =	vld [tilespmem:s26+$0x0];
	s23 =	sadd.s32 $0x10, s23  }
0x32: {  	s30 =	smul.u32 $0x5, s29;
	v3 =	vld [tilespmem:s23+$0x0];
	_ =	sdelay $0x1  }
0x33: {  	s29 =	sand.u32 $0x3F, s29;
	s30 =	ssub.s32 s24, s30;
	s24 =	smov.u32 s28  }
0x34: {  	s29 =	smul.u32 $0x50, s29;
	vm0 =	vlt.f32 v1, $0.0e+00;
	s30 =	sshll.u32 s30, $0x4  }
.Ltmp0:
0x35: {  	v4 =	vsel vm0, $0x2710, v0;
	s30 =	sand.u32 $0xF0, s30;
	(pc) =	sbr.rel @p0 .LBB2_3-.Ltmp0, $4  }
0x36: {  	vm0 =	veq.f32 v1, $0.0e+00;
	v2 =	vadd.s32 v2, v4;
	s30 =	sadd.s32 s30, s29;
	v1 =	vadd.s32 v3, v4  }
0x37: {  	[tilespmem:s30+$0x1770] =	vst v2;
	v1 =	vsel vm0, $0x4E20, v1  }
0x38: {  	s25 =	sadd.s32 $0x10, s25;
	s29 =	smul.u32 $0xCD, s28;
	[tilespmem:s30+$0x1F40] =	vst v1  }
0x39: {  	s26 =	sadd.s32 $0x10, s26;
	s28 =	sadd.s32 $0x1, s28;
	v1 =	vld [tilespmem:s25+$0x0]  }
0x3a: {  	s25 =	sshrl.u32 s29, $0xA;
	v2 =	vld [tilespmem:s26+$0x0];
	s23 =	sadd.s32 $0x10, s23  }
0x3b: {  	s31 =	smul.u32 $0x5, s25;
	v3 =	vld [tilespmem:s23+$0x0];
	_ =	sdelay $0x1  }
0x3c: {  	s25 =	sand.u32 $0x3F, s25;
	s24 =	ssub.s32 s24, s31  }
0x3d: {  	s23 =	smul.u32 $0x50, s25;
	vm0 =	vlt.f32 v1, $0.0e+00;
	s24 =	sshll.u32 s24, $0x4  }
0x3e: {  	v4 =	vsel vm0, $0x2710, v0;
	s24 =	sand.u32 $0xF0, s24  }
0x3f: {  	vm15 =	veq.f32 v1, $0.0e+00;
	v2 =	vadd.s32 v2, v4;
	s23 =	sadd.s32 s24, s23;
	v1 =	vadd.s32 v3, v4  }
0x40: {  	[tilespmem:s23+$0x1770] =	vst v2;
	v1 =	vsel vm15, $0x4E20, v1  }
0x41: {  	[tilespmem:s23+$0x1F40] =	vst v1  }
0x42: {  	[tilespmem:s17], [sflag:$0x1] =	stream.indirect.gather [hbm4b:s1+s15], $0x40, s16, s15, $0xb8;
	[tilespmem:$0x18F10] =	vst v63  }
0x43: {  	_ =	swait.ge [sflag:s18], $0x1400  }
0x44: {  	[sflag:s18] =	ssyncset.done $0x0  }
0x45: {  	s28 =	simm.s32 $0x17C0;
	[sflag:s18] =	ssyncadd.s32 $0xFFFFEC00  }
0x46: {  	[tilespmem:s19], [sflag:$0x2] =	stream.indirect.gather [hbm4b:s1+s15], $0x40, s28, s15, $0xb8;
	[tilespmem:$0x18F10] =	vst v63  }
0x47: {  	s29 =	simm.s32 $0x1F40  }
0x48: {  	[spmem:s4] =	stream.indirect.scatter.add.bf16 [tilespmem:s17], [sflag:$0x3], $0x40, s29, s15, $0xb8;
	[tilespmem:$0x18F10] =	vst v63  }
0x49: {  	_ =	swait.ge [sflag:s14], $0x1400  }
0x4a: {  	[sflag:s14] =	ssyncset.done $0x0  }
0x4b: {  	[sflag:s14] =	ssyncadd.s32 $0xFFFFEC00  }
0x4c: {  	_ =	swait.ge [sflag:s20], $0x1400  }
0x4d: {  	[sflag:s20] =	ssyncset.done $0x0  }
0x4e: {  	s30 =	simm.s32 $0x1810;
	[sflag:s20] =	ssyncadd.s32 $0xFFFFEC00  }
0x4f: {  	[tilespmem:s17], [sflag:$0x1] =	stream.indirect.gather [hbm4b:s1+s15], $0x40, s30, s15, $0xb8;
	[tilespmem:$0x18F10] =	vst v63  }
0x50: {  	s31 =	simm.s32 $0x1F90  }
0x51: {  	[spmem:s4] =	stream.indirect.scatter.add.bf16 [tilespmem:s19], [sflag:$0x3], $0x40, s31, s15, $0xb8;
	[tilespmem:$0x18F10] =	vst v63  }
0x52: {  	_ =	swait.ge [sflag:s14], $0x1400  }
0x53: {  	s23 =	simm.s32 $0x280;
	[sflag:s14] =	ssyncset.done $0x0  }
.LBB2_5:
0x54: {  	p0 =	sne.s32 s23, $0x1B80  }
0x55: {  	[sflag:s14] =	ssyncadd.s32 $0xFFFFEC00;
	s24 =	smov.u32 s23;
	s23 =	sadd.s32 $0x280, s23  }
0x56: {  	_ = 	snop  }
0x57: {  	_ =	swait.ge [sflag:s18], $0x1400  }
0x58: {  	s24 =	sshra.s32 s24, $0x2;
	[sflag:s18] =	ssyncset.done $0x0  }
0x59: {  	s25 =	sadd.s32 $0x17C0, s24;
	[sflag:s18] =	ssyncadd.s32 $0xFFFFEC00  }
0x5a: {  	[tilespmem:s19], [sflag:$0x2] =	stream.indirect.gather [hbm4b:s1+s15], $0x40, s25, s15, $0xb8;
	[tilespmem:$0x18F10] =	vst v63  }
0x5b: {  	s25 =	sadd.s32 $0x1F40, s24  }
0x5c: {  	[spmem:s4] =	stream.indirect.scatter.add.bf16 [tilespmem:s17], [sflag:$0x3], $0x40, s25, s15, $0xb8;
	[tilespmem:$0x18F10] =	vst v63  }
0x5d: {  	_ =	swait.ge [sflag:s14], $0x1400  }
0x5e: {  	[sflag:s14] =	ssyncset.done $0x0  }
0x5f: {  	[sflag:s14] =	ssyncadd.s32 $0xFFFFEC00  }
0x60: {  	_ =	swait.ge [sflag:s20], $0x1400  }
0x61: {  	[sflag:s20] =	ssyncset.done $0x0  }
0x62: {  	s25 =	sadd.s32 $0x1810, s24;
	[sflag:s20] =	ssyncadd.s32 $0xFFFFEC00  }
0x63: {  	[tilespmem:s17], [sflag:$0x1] =	stream.indirect.gather [hbm4b:s1+s15], $0x40, s25, s15, $0xb8;
	[tilespmem:$0x18F10] =	vst v63  }
.Ltmp1:
0x64: {  	_ = 	snop;
	(pc) =	sbr.rel @p0 .LBB2_5-.Ltmp1, $4  }
0x65: {  	s24 =	sadd.s32 $0x1F90, s24  }
0x66: {  	[spmem:s4] =	stream.indirect.scatter.add.bf16 [tilespmem:s19], [sflag:$0x3], $0x40, s24, s15, $0xb8;
	[tilespmem:$0x18F10] =	vst v63  }
0x67: {  	_ =	swait.ge [sflag:s14], $0x1400  }
0x68: {  	[sflag:s14] =	ssyncset.done $0x0  }
0x69: {  	[sflag:s14] =	ssyncadd.s32 $0xFFFFEC00  }
0x6a: {  	s22 =	sadd.s32 $0x1, s22;
	_ =	swait.ge [sflag:s18], $0x1400  }
0x6b: {  	p0 =	sne.s32 s22, $0x5;
	[sflag:s18] =	ssyncset.done $0x0  }
.Ltmp2:
0x6c: {  	[sflag:s18] =	ssyncadd.s32 $0xFFFFEC00;
	(pc) =	sbr.rel @p0 .LBB2_2-.Ltmp2, $4  }
0x6d: {  	[spmem:s4] =	stream.indirect.scatter.add.bf16 [tilespmem:s17], [sflag:$0x3], $0x40, s21, s15, $0xb8;
	[tilespmem:$0x18F10] =	vst v63  }
0x6e: {  	_ =	swait.ge [sflag:s14], $0x1400  }
0x6f: {  	[sflag:s14] =	ssyncset.done $0x0  }
0x70: {  	[sflag:s14] =	ssyncadd.s32 $0xFFFFEC00  }
0x71: {  	s5 =	sadd.s32 $0x1, s5  }
0x72: {  	p0 =	sne.s32 s5, s12  }
.Ltmp3:
0x73: {  	[bflag:$0x0] =	sbarrier.arrive $0xFFFF;
	(pc) =	sbr.rel @p0 .LBB2_1-.Ltmp3, $4  }
0x74: {  	[hbm:s11], [sflag:s9] =	dma.local [spmem:s13], $0x2800  }
0x75: {  	_ =	swait.ge [sflag:s14], $0x2800  }
0x76: {  	[sflag:s14] =	ssyncset.done $0x0  }
0x77: {  	[sflag:s14] =	ssyncadd.s32 $0xFFFFD800  }
0x78: {  	_ =	sfence.sel $0x180000  }
0x79: {  	[bflag:$0x0] =	sbarrier.arrive $0xFFFF  }
0x7a: {  	p0 =	sne.s32 s2, $0x0;
	_ =	strace $0x9000004A  }
0x7b: {  	s0 =	sadd.s32 @!p0 $0x100000, s0;
	[bflag:$0x2] =	sbarrier.arrive $0xFFFF  }
0x7c: {  	[sflag:s0] =	ssyncadd.tile.s32 @!p0 $0x1;
	_ =	shalt  }
.Lfunc_end2:
_tile_overlayer_lowered:
.L_overlay_start_2:
0x7d: {  	(tag) =	ssettag $0x2  }
0x7e: {  	s0 =	rddreg [dreg:$0x0];
	s2 =	stileid.u32  }
0x7f: {  	s1 =	rddreg [dreg:$0x1];
	p0 =	sne.s32 s2, $0x0  }
0x80: {  	s3 =	rddreg [dreg:$0x2];
	[bflag:$0x3] =	sbarrier.arrive $0xFFFF;
	s2 =	simm.s32 @!p0 $0x1C03  }
0x81: {  	[timem:s3], [sflag:s2] =	dma.local @!p0 [hbm:s0], s1  }
0x82: {  	s0 =	simm.s32 @!p0 $0x3  }
0x83: {  	_ =	swait.ge @!p0 [sflag:s0], s1  }
0x84: {  	s1 =	ssub.s32 @!p0 $0x0, s1;
	[sflag:s0] =	ssyncset.done @!p0 $0x0  }
0x85: {  	[sflag:s0] =	ssyncadd.s32 @!p0 s1  }
0x86: {  	[bflag:$0x3] =	sbarrier.arrive $0xFFFF  }
0x87: {  	_ =	shalt  }

// kernel: kernel.7.cloned.1.call-start
scs
__scs_entry_jumppad:
0x0: {  	(pc) =	sbr.rel $0x88, $3  }
0x1: {  	(tag) =	ssettag $0x0;
	lr =	simm.s32 $0x1  }
0x2: {  	[smem:$0x3F92] =	sst lr;
	_ =	strace $0xD0000000  }
0x3: {  	_ = 	snop  }
0x4: {  	_ = 	snop  }
0x5: {  	_ = 	snop  }
0x6: {  	_ = 	snop  }
0x7: {  	_ = 	snop  }
__scs_overlays_trampoline_lowered:
0x8: {  	[smem:$0x3FA1] =	sst s0  }
0x9: {  	[smem:$0x3FA2] =	sst s1  }
0xa: {  	[smem:$0x3FA3] =	sst s2  }
0xb: {  	[smem:$0x3FA4] =	sst s3  }
0xc: {  	[smem:$0x3FA5] =	sst s4  }
0xd: {  	[smem:$0x3FA6] =	sst s5  }
0xe: {  	[smem:$0x3FA7] =	sst s6  }
0xf: {  	[smem:$0x3FA8] =	sst s7  }
0x10: {  	[smem:$0x3FA9] =	sst s8  }
0x11: {  	[smem:$0x3FAA] =	sst s9;
	s0 =	simm.s32 @!p0 $0x0  }
0x12: {  	s1 =	sld [smem:$0x3F90];
	s0 =	simm.s32 @p0 $0x1  }
0x13: {  	[smem:$0x3FAB] =	sst s0;
	s0 =	simm.s32 @!p1 $0x0  }
0x14: {  	s2 =	sld [smem:$0x3F8F];
	s0 =	simm.s32 @p1 $0x1  }
0x15: {  	[smem:$0x3FAC] =	sst s0;
	s0 =	simm.s32 @!p2 $0x0  }
0x16: {  	s3 =	sld [smem:$0x3FDB];
	s0 =	simm.s32 @p2 $0x1  }
0x17: {  	s4 =	simm.s32 $0x1BF5;
	[smem:$0x3FAE] =	sst s0  }
0x18: {  	s0 =	sld [smem:$0x3F91];
	_ =	swait.ge [sflag:s4], $0x0  }
0x19: {  	s7 =	sld [smem:$0x3F92]  }
0x1a: {  	s8 =	sadd.s32 $0xFFFFE003, lr  }
0x1b: {  	s9 =	sadd.s32 $0xFFFFFEF7, lr;
	s5 =	simm.s32 $0xFFFFFFFF;
	p2 =	slt.u32 s8, $0xFFFFF086  }
0x1c: {  	p1 =	slt.u32 s9, $0xF7A;
	s5 =	simm.s32 @!p2 $0x0  }
0x1d: {  	s5 =	simm.s32 @p1 $0x1;
	p0 =	seq.s32 s7, s2  }
0x1e: {  	s7 =	smul.u32 @!p0 $0xF7A, s2;
	p2 =	seq.s32 @!p0 s5, $0x0  }
0x1f: {  	s9 =	smul.u32 $0xF7A, s1;
	s8 =	simm.s32 @!p0 $0x1BF5;
	p2 =	por !p2, p0  }
0x20: {  	[sflag:s8] =	ssyncset.s32 @!p0 $0xFFFFF086;
	s6 =	sadd.s32 @!p0 s3, s7;
	s7 =	simm.s32 @!p0 $0x108  }
0x21: {  	s3 =	sadd.s32 s3, s9;
	s6 =	sadd.s32 @!p0 $0x88, s6;
	s7 =	simm.s32 @p2 $0x1082  }
0x22: {  	[simem:s7], [sflag:s8] =	dma.local @!p0 [hbm:s6], $0xF7A  }
0x23: {  	s9 =	sor.u32 $0xD0000000, s2;
	s6 =	simm.s32 $0x108;
	_ =	swait.ge @!p0 [sflag:s8], $0x0  }
0x24: {  	s3 =	sadd.s32 $0x88, s3;
	s6 =	simm.s32 @!p1 $0x1082;
	[sflag:s4] =	ssyncset.s32 $0xFFFFF086  }
0x25: {  	[simem:s6], [sflag:s4] =	dma.local [hbm:s3], $0xF7A  }
0x26: {  	[smem:$0x3F92] =	sst s1;
	(tag) =	ssettag s2;
	_ =	strace s9  }
0x27: {  	s1 =	sld [smem:$0x3FA2]  }
0x28: {  	s2 =	sld [smem:$0x3FA3]  }
0x29: {  	s4 =	sld [smem:$0x3FA5]  }
0x2a: {  	p0 =	seq.s32 s5, $0x0;
	s5 =	sld [smem:$0x3FA6]  }
0x2b: {  	s6 =	sld [smem:$0x3FA7]  }
0x2c: {  	s7 =	sld [smem:$0x3FA8]  }
0x2d: {  	s3 =	simm.s32 $0x108;
	s8 =	sld [smem:$0x3FA9]  }
0x2e: {  	s3 =	simm.s32 @!p0 $0x1082;
	s9 =	sld [smem:$0x3FAA]  }
0x2f: {  	lr =	sadd.s32 s0, s3;
	s0 =	sld [smem:$0x3FA1]  }
0x30: {  	s3 =	sld [smem:$0x3FA4]  }
0x31: {  	[smem:$0x3FAD] =	sst s10  }
0x32: {  	s10 =	sld [smem:$0x3FAB];
	_ =	sdelay $0x3  }
0x33: {  	p0 =	seq.s32 s10, $0x1;
	s10 =	sld [smem:$0x3FAD];
	_ =	sdelay $0x3  }
0x34: {  	[smem:$0x3FAD] =	sst s10  }
0x35: {  	s10 =	sld [smem:$0x3FAC];
	_ =	sdelay $0x3  }
0x36: {  	p1 =	seq.s32 s10, $0x1;
	s10 =	sld [smem:$0x3FAD];
	_ =	sdelay $0x3  }
0x37: {  	[smem:$0x3FAD] =	sst s10  }
0x38: {  	s10 =	sld [smem:$0x3FAE]  }
0x39: {  	_ = 	snop;
	(pc) =	sbr.ind lr, $3  }
0x3a: {  	_ = 	snop  }
0x3b: {  	_ = 	snop  }
0x3c: {  	p2 =	seq.s32 s10, $0x1;
	s10 =	sld [smem:$0x3FAD]  }
0x3d: {  	_ =	shalt  }
0x3e: {  	_ =	shalt  }
0x3f: {  	_ =	shalt  }
0x40: {  	_ =	shalt  }
0x41: {  	_ =	shalt  }
0x42: {  	_ =	shalt  }
0x43: {  	_ =	shalt  }
0x44: {  	_ =	shalt  }
0x45: {  	_ =	shalt  }
0x46: {  	_ =	shalt  }
0x47: {  	_ =	shalt  }
0x48: {  	_ =	shalt  }
0x49: {  	_ =	shalt  }
0x4a: {  	_ =	shalt  }
0x4b: {  	_ =	shalt  }
0x4c: {  	_ =	shalt  }
0x4d: {  	_ =	shalt  }
0x4e: {  	_ =	shalt  }
0x4f: {  	_ =	shalt  }
0x50: {  	_ =	shalt  }
0x51: {  	_ =	shalt  }
0x52: {  	_ =	shalt  }
0x53: {  	_ =	shalt  }
0x54: {  	_ =	shalt  }
0x55: {  	_ =	shalt  }
0x56: {  	_ =	shalt  }
0x57: {  	_ =	shalt  }
0x58: {  	_ =	shalt  }
0x59: {  	_ =	shalt  }
0x5a: {  	_ =	shalt  }
0x5b: {  	_ =	shalt  }
0x5c: {  	_ =	shalt  }
0x5d: {  	_ =	shalt  }
0x5e: {  	_ =	shalt  }
0x5f: {  	_ =	shalt  }
0x60: {  	_ =	shalt  }
0x61: {  	_ =	shalt  }
0x62: {  	_ =	shalt  }
0x63: {  	_ =	shalt  }
0x64: {  	_ =	shalt  }
0x65: {  	_ =	shalt  }
0x66: {  	_ =	shalt  }
0x67: {  	_ =	shalt  }
0x68: {  	_ =	shalt  }
0x69: {  	_ =	shalt  }
0x6a: {  	_ =	shalt  }
0x6b: {  	_ =	shalt  }
0x6c: {  	_ =	shalt  }
0x6d: {  	_ =	shalt  }
0x6e: {  	_ =	shalt  }
0x6f: {  	_ =	shalt  }
0x70: {  	_ =	shalt  }
0x71: {  	_ =	shalt  }
0x72: {  	_ =	shalt  }
0x73: {  	_ =	shalt  }
0x74: {  	_ =	shalt  }
0x75: {  	_ =	shalt  }
0x76: {  	_ =	shalt  }
0x77: {  	_ =	shalt  }
0x78: {  	_ =	shalt  }
0x79: {  	_ =	shalt  }
0x7a: {  	_ =	shalt  }
0x7b: {  	_ =	shalt  }
0x7c: {  	_ =	shalt  }
0x7d: {  	_ =	shalt  }
0x7e: {  	_ =	shalt  }
0x7f: {  	_ =	shalt  }
0x80: {  	_ =	shalt  }
0x81: {  	_ =	shalt  }
0x82: {  	_ =	shalt  }
0x83: {  	_ =	shalt  }
0x84: {  	_ =	shalt  }
0x85: {  	_ =	shalt  }
0x86: {  	_ =	shalt  }
0x87: {  	_ =	shalt  }
.Lfunc_end0:
.L_simem_size_0:
called_computation_lowered:
.L_overlay_start_0:
0x88: {  	s2 =	sld [smem:$0x3FD9]  }
0x89: {  	s3 =	sld [smem:$0x3FFE];
	_ =	sdelay $0x1  }
0x8a: {  	s1 =	srdreg.scid  }
0x8b: {  	s0 =	sand.u32 $0x1, s1  }
0x8c: {  	s17 =	sshll.u32 s0, $0xA;
	s2 =	sadd.s32 s3, s2  }
0x8d: {  	s2 =	sadd.s32 s2, s17  }
0x8e: {  	[smem:$0x3FB9] =	sst s2  }
0x8f: {  	_ = 	snop  }
0x90: {  	s2 =	sld [smem:$0x3FC7]  }
0x91: {  	s18 =	sld [smem:$0x3FD0];
	(tm) =	ssettm $0x1  }
0x92: {  	s4 =	sld [smem:$0x3FFB];
	_ =	sdelay $0x3  }
0x93: {  	_ =	strace s4  }
0x94: {  	s4 =	sld [smem:$0x3FFC];
	_ =	sdelay $0x3  }
0x95: {  	_ =	strace s4  }
0x96: {  	s4 =	sld [smem:$0x3FFD];
	_ =	sdelay $0x3  }
0x97: {  	_ =	strace s4  }
0x98: {  	_ =	strace $0x8FFFFFFF  }
0x99: {  	s19 =	sld [smem:$0x3FDB];
	_ =	sdelay $0x1  }
0x9a: {  	s5 =	simm.s32 $_scs_section_size  }
0x9b: {  	s6 =	simm.s32 $_size__tile_overlayer_lowered;
	s7 =	simm.s32 $_tile_overlayer_lowered  }
0x9c: {  	s22 =	simm.s32 $0x1BFF;
	s21 =	sshll.u32 s7, $0x1;
	s4 =	sadd.s32 s5, s19  }
0x9d: {  	s8 =	simm.s32 $0x0;
	s20 =	sshll.u32 s6, $0x1;
	s6 =	sadd.s32 s21, s4  }
0x9e: {  	[timem:s8], [sflag:s22] =	dma.local [hbm:s6], s20  }
0x9f: {  	_ =	swait.ge [sflag:s22], s20  }
0xa0: {  	s5 =	ssub.s32 $0x0, s20;
	[sflag:s22] =	ssyncset.done $0x0  }
0xa1: {  	[sflag:s22] =	ssyncadd.s32 s5;
	_ =	sdelay $0x1  }
0xa2: {  	s23 =	simm.s32 $0x1B8B  }
0xa3: {  	_ =	swait.ge [sflag:s23], $0x1  }
0xa4: {  	[sflag:s23] =	ssyncset.done $0x0  }
0xa5: {  	s25 =	simm.s32 $0x1B8E;
	s24 =	sld [smem:$0x3FFE];
	[sflag:s23] =	ssyncadd.s32 $0xFFFFFFFF  }
0xa6: {  	s26 =	simm.s32 $execute0_lowered;
	[smem:$0x3FD2] =	sst s25  }
0xa7: {  	s6 =	sshll.u32 s26, $0x1;
	_ =	strace $0x80000046;
	[dreg:$0x1] =	wrdreg $0xFFFFFFFF  }
0xa8: {  	s28 =	simm.s32 $_size_execute0_lowered;
	s4 =	sadd.s32 s4, s6;
	[dreg:$0x0] =	wrdreg $0x0  }
0xa9: {  	s6 =	sshll.u32 s28, $0x1;
	[dreg:$0x2] =	wrdreg s4  }
0xaa: {  	[dreg:$0x3] =	wrdreg s6  }
0xab: {  	[dreg:$0x4] =	wrdreg $0xC0  }
0xac: {  	_ =	task [dreg:s8], $0x5FFFF  }
0xad: {  	[dreg:$0x1] =	wrdreg $0xFFFFFFFF  }
0xae: {  	[dreg:$0x0] =	wrdreg $0x60  }
0xaf: {  	[dreg:$0x2] =	wrdreg s24  }
0xb0: {  	[dreg:$0x3] =	wrdreg s2  }
0xb1: {  	[dreg:$0x4] =	wrdreg s18  }
0xb2: {  	[dreg:$0x5] =	wrdreg $0x3B600  }
0xb3: {  	[dreg:$0x6] =	wrdreg $0xDB600  }
0xb4: {  	[dreg:$0x7] =	wrdreg $0x9  }
0xb5: {  	_ =	task.clear_ibuf [dreg:s8], $0x8FFFF;
	_ =	strace $0x90000046  }
0xb6: {  	s29 =	simm.s32 $0x9;
	_ =	strace $0x80000048  }
0xb7: {  	_ =	swait.ge [sflag:s29], $0x1  }
0xb8: {  	[sflag:s29] =	ssyncadd.s32 $0xFFFFFFFF  }
0xb9: {  	_ =	strace $0x90000048  }
0xba: {  	_ =	sfence  }
0xbb: {  	s30 =	sld [smem:$0x0];
	_ =	sdelay $0x2  }
0xbc: {  	s31 =	sshll.u32 s1, $0xD;
	s1 =	sshrl.u32 s1, $0x2  }
0xbd: {  	s3 =	sand.u32 $0x4000, s31;
	s1 =	sadd.s32 s1, s30  }
0xbe: {  	s0 =	sor.u32 s3, s0;
	s1 =	sshll.u32 s1, $0x11  }
0xbf: {  	s0 =	sor.u32 s1, s0  }
0xc0: {  	s0 =	sadd.s32 $0x8F2B, s0  }
0xc1: {  	[sflag:s0] =	ssyncadd.remote.s32 $0x1  }
0xc2: {  	_ =	sfence.sel $0xFFFF  }
0xc3: {  	[dreg:$0x0] =	wrdreg $0xFFFFFFFF;
	(pc) =	sbr.abs _section_cstart, $3  }
0xc4: {  	[dreg:$0x1] =	wrdreg $0xFFFFFFFF  }
0xc5: {  	_ =	task.clear_ibuf [dreg:s8], $0x2FFFF;
	_ =	strace $0x9FFFFFFF  }
0xc6: {  	(tm) =	ssettm $0x7FFFFFFF  }
0xc7: {  	_ =	shalt  }
tec
execute0_lowered:
.L_overlay_start_1:
0x0: {  	(tag) =	ssettag $0x1  }
0x1: {  	s0 =	rddreg [dreg:$0x0]  }
0x2: {  	s1 =	rddreg [dreg:$0x1]  }
0x3: {  	s2 =	rddreg [dreg:$0x2]  }
0x4: {  	s3 =	rddreg [dreg:$0x3]  }
0x5: {  	s4 =	rddreg [dreg:$0x4]  }
0x6: {  	s18 =	stileid.u32;
	s5 =	simm.s32 $0x0;
	s6 =	srdreg.scid  }
0x7: {  	s19 =	simm.s32 $0x50;
	s20 =	simm.s32 $0x1770;
	s21 =	simm.s32 $0x2710  }
0x8: {  	s22 =	simm.s32 $0x1;
	s23 =	simm.s32 $0x3110;
	s9 =	smul.u32 $0x500, s18  }
0x9: {  	[smem:$0x7FF] =	sst s5;
	s10 =	sand.u32 $0x1, s6;
	s11 =	smul.u32 $0x14000, s18  }
0xa: {  	s6 =	sadd.s32 $0xC400, s0;
	s7 =	sadd.s32 $0x2600, s0;
	s8 =	sadd.s32 $0x64400, s0  }
0xb: {  	s26 =	sshll.u32 s18, $0x1;
	s29 =	sshll.u32 s18, $0x6;
	s12 =	smul.u32 $0x140000, s10  }
0xc: {  	_ =	strace $0x80000047;
	s14 =	smul.u32 $0x5000, s10;
	s15 =	ssub.s32 $0x2, s10  }
0xd: {  	s13 =	sshrl.u32 s9, $0x3;
	s25 =	sshrl.u32 s15, $0x1;
	s28 =	sshrl.u32 s11, $0x1  }
0xe: {  	s30 =	sadd.s32 s9, s4;
	s13 =	sadd.s32 s13, s0;
	s12 =	sadd.s32 s11, s12  }
0xf: {  	s14 =	sadd.s32 s9, s14;
	s15 =	ssub.s32 s15, s25;
	s11 =	sshrl.u32 s11, $0x4  }
0x10: {  	s17 =	sadd.s32 s28, s3;
	s18 =	sshrl.u32 s30, $0x3;
	s25 =	simm.s32 $0x2  }
0x11: {  	s12 =	sshrl.u32 s12, $0x4;
	s24 =	sshrl.u32 s14, $0x3;
	s2 =	sadd.s32 s2, s11  }
0x12: {  	s31 =	sadd.s32 $0x77E00, s13;
	s15 =	smax.u32 s15, $0x1;
	s16 =	sadd.s32 s12, s0  }
0x13: {  	s0 =	sadd.s32 s24, s0;
	s12 =	sor.u32 s10, s26;
	[dreg:$0x6] =	wrdreg s2  }
0x14: {  	s10 =	sor.u32 $0x1C03, s29;
	[dreg:$0x7] =	wrdreg s31;
	s24 =	simm.s32 $0x3B10  }
0x15: {  	s26 =	simm.s32 $0x26C0;
	s12 =	smul.u32 $0x2710, s12;
	s13 =	sadd.s32 $0x79C00, s16  }
0x16: {  	v0 =	vimm.f32 $1.000000000e+00;
	v1 =	vimm.s32 $0x0;
	s14 =	sadd.s32 $0x78800, s0;
	s16 =	sshrl.u32 s17, $0x3;
	s17 =	simm.s32 $0x3  }
.LBB2_1:
0x17: {  	s0 =	rddreg [dreg:$0x6]  }
0x18: {  	[spmem:s16], [sflag:s10] =	dma.local [hbm:s0], $0x1400  }
0x19: {  	_ =	swait.ge [sflag:s17], $0x1400  }
0x1a: {  	[sflag:s17] =	ssyncset.done $0x0  }
0x1b: {  	s31 =	rddreg [dreg:$0x7];
	[sflag:s17] =	ssyncadd.s32 $0xFFFFEC00  }
0x1c: {  	[spmem:s18], [sflag:s10] =	dma.local [hbm:s31], $0xA0  }
0x1d: {  	_ =	swait.ge [sflag:s17], $0xA0  }
0x1e: {  	[sflag:s17] =	ssyncset.done $0x0  }
0x1f: {  	[sflag:s17] =	ssyncadd.s32 $0xFFFFFF60  }
0x20: {  	[tilespmem:$0x3B10] =	vst v0  }
0x21: {  	[tilespmem:$0x3B20] =	vst v0  }
0x22: {  	[tilespmem:$0x3B30] =	vst v0  }
0x23: {  	[tilespmem:$0x3B40] =	vst v0  }
0x24: {  	[tilespmem:$0x3B50] =	vst v0  }
0x25: {  	s28 =	simm.s32 $0x0;
	[bflag:$0x0] =	sbarrier.arrive $0xFFFF  }
.LBB2_2:
0x26: {  	s0 =	smul.u32 $0x7D0, s28;
	_ =	sdelay $0x1  }
0x27: {  	s0 =	sadd.s32 s12, s0  }
0x28: {  	s0 =	sshrl.u32 s0, $0x3  }
0x29: {  	s9 =	simm.s32 $0x0;
	s2 =	sadd.s32 s6, s0  }
0x2a: {  	[tilespmem:s9], [sflag:$0x3] =	stream.linear.gather [hbm4b:s2+s9], $0x7D0, $0x38;
	[tilespmem:$0xE060] =	vst v63  }
0x2b: {  	_ =	swait.ge [sflag:s17], $0x7D0  }
0x2c: {  	[sflag:s17] =	ssyncset.done $0x0  }
0x2d: {  	s29 =	simm.s32 $0x7D0;
	s11 =	sadd.s32 s7, s0;
	[sflag:s17] =	ssyncadd.s32 $0xFFFFF830  }
0x2e: {  	[tilespmem:s29], [sflag:$0x3] =	stream.linear.gather [hbm4b:s11+s9], $0x7D0, $0x38;
	[tilespmem:$0xE060] =	vst v63  }
0x2f: {  	_ =	swait.ge [sflag:s17], $0x7D0  }
0x30: {  	[sflag:s17] =	ssyncset.done $0x0  }
0x31: {  	s0 =	sadd.s32 s1, s0;
	s2 =	simm.s32 $0xFA0;
	[sflag:s17] =	ssyncadd.s32 $0xFFFFF830  }
0x32: {  	[tilespmem:s2], [sflag:$0x3] =	stream.linear.gather [hbm4b:s0+s9], $0x7D0, $0x38;
	[tilespmem:$0xE060] =	vst v63  }
0x33: {  	_ =	swait.ge [sflag:s17], $0x7D0  }
0x34: {  	[sflag:s17] =	ssyncset.done $0x0  }
0x35: {  	s11 =	smul.u32 $0xCD, s9;
	[sflag:s17] =	ssyncadd.s32 $0xFFFFF830  }
0x36: {  	v2 =	vld [tilespmem:s2+$0x0]  }
0x37: {  	s0 =	sshrl.u32 s11, $0xA;
	v3 =	vld [tilespmem:s9+$0x0]  }
0x38: {  	s11 =	smul.u32 $0x5, s0;
	v4 =	vld [tilespmem:s29+$0x0];
	_ =	sdelay $0x1  }
0x39: {  	s0 =	sand.u32 $0x3F, s0;
	s2 =	ssub.s32 $0x0, s11  }
0x3a: {  	s0 =	smul.u32 $0x50, s0;
	s2 =	sshll.u32 s2, $0x4;
	vm0 =	vlt.f32 v2, $0.0e+00  }
0x3b: {  	s2 =	sand.u32 $0xF0, s2;
	v5 =	vsel vm0, $0x2710, v1  }
0x3c: {  	s0 =	sadd.s32 s2, s0;
	vm15 =	veq.f32 v2, $0.0e+00;
	v3 =	vadd.s32 v3, v5;
	v2 =	vadd.s32 v4, v5  }
0x3d: {  	s30 =	simm.s32 $0x1;
	[tilespmem:s0+$0x1770] =	vst v3;
	v2 =	vsel vm15, $0x4E20, v2  }
0x3e: {  	s31 =	simm.s32 $0xFB0;
	s9 =	smul.u32 $0xCD, s30;
	[tilespmem:s0+$0x1F40] =	vst v2  }
0x3f: {  	s2 =	simm.s32 $0x2;
	s0 =	simm.s32 $0x10;
	v2 =	vld [tilespmem:s31+$0x0]  }
.LBB2_3:
0x40: {  	p0 =	sne.s32 s2, $0x7C;
	s9 =	sshrl.u32 s9, $0xA;
	v3 =	vld [tilespmem:s0+$0x0];
	s29 =	sadd.s32 $0x10, s29  }
0x41: {  	s11 =	smul.u32 $0x5, s9;
	v4 =	vld [tilespmem:s29+$0x0];
	_ =	sdelay $0x1  }
0x42: {  	s9 =	sand.u32 $0x3F, s9;
	s11 =	ssub.s32 s30, s11;
	s30 =	smov.u32 s2  }
0x43: {  	s9 =	smul.u32 $0x50, s9;
	vm0 =	vlt.f32 v2, $0.0e+00;
	s11 =	sshll.u32 s11, $0x4  }
.Ltmp0:
0x44: {  	v5 =	vsel vm0, $0x2710, v1;
	s11 =	sand.u32 $0xF0, s11;
	(pc) =	sbr.rel @p0 .LBB2_3-.Ltmp0, $4  }
0x45: {  	vm0 =	veq.f32 v2, $0.0e+00;
	v3 =	vadd.s32 v3, v5;
	s11 =	sadd.s32 s11, s9;
	v2 =	vadd.s32 v4, v5  }
0x46: {  	[tilespmem:s11+$0x1770] =	vst v3;
	v2 =	vsel vm0, $0x4E20, v2  }
0x47: {  	s31 =	sadd.s32 $0x10, s31;
	s9 =	smul.u32 $0xCD, s2;
	[tilespmem:s11+$0x1F40] =	vst v2  }
0x48: {  	s0 =	sadd.s32 $0x10, s0;
	s2 =	sadd.s32 $0x1, s2;
	v2 =	vld [tilespmem:s31+$0x0]  }
0x49: {  	s2 =	sshrl.u32 s9, $0xA;
	v3 =	vld [tilespmem:s0+$0x0];
	s31 =	sadd.s32 $0x10, s29  }
0x4a: {  	s9 =	smul.u32 $0x5, s2;
	v4 =	vld [tilespmem:s31+$0x0];
	_ =	sdelay $0x1  }
0x4b: {  	s11 =	sand.u32 $0x3F, s2;
	s31 =	ssub.s32 s30, s9  }
0x4c: {  	s0 =	smul.u32 $0x50, s11;
	vm0 =	vlt.f32 v2, $0.0e+00;
	s2 =	sshll.u32 s31, $0x4  }
0x4d: {  	v5 =	vsel vm0, $0x2710, v1;
	s2 =	sand.u32 $0xF0, s2  }
0x4e: {  	vm15 =	veq.f32 v2, $0.0e+00;
	v3 =	vadd.s32 v3, v5;
	s0 =	sadd.s32 s2, s0;
	v2 =	vadd.s32 v4, v5  }
0x4f: {  	[tilespmem:s0+$0x1770] =	vst v3;
	v2 =	vsel vm15, $0x4E20, v2  }
0x50: {  	[tilespmem:s0+$0x1F40] =	vst v2  }
0x51: {  	[tilespmem:s21], [sflag:$0x1] =	stream.indirect.gather [hbm4b:s8+s19], $0x20, s20, s19, $0xb8;
	[tilespmem:$0xE060] =	vst v63  }
0x52: {  	_ =	swait.ge [sflag:s22], $0xA00  }
0x53: {  	[sflag:s22] =	ssyncset.done $0x0  }
0x54: {  	s9 =	simm.s32 $0x17C0;
	[sflag:s22] =	ssyncadd.s32 $0xFFFFF600  }
0x55: {  	[tilespmem:s23], [sflag:$0x2] =	stream.indirect.gather [hbm4b:s8+s19], $0x20, s9, s19, $0xb8;
	[tilespmem:$0xE060] =	vst v63  }
0x56: {  	s11 =	simm.s32 $0x1F40  }
0x57: {  	[spmem:s3] =	stream.indirect.scatter.add.bf16 [tilespmem:s21], [sflag:$0x3], $0x20, s11, s19, $0xb8;
	[tilespmem:$0xE060] =	vst v63  }
0x58: {  	_ =	swait.ge [sflag:s17], $0xA00  }
0x59: {  	[sflag:s17] =	ssyncset.done $0x0  }
0x5a: {  	[sflag:s17] =	ssyncadd.s32 $0xFFFFF600  }
0x5b: {  	[spmem:s4] =	stream.indirect.scatter.add.f32 [tilespmem:s24], [sflag:$0x3], $0x1, s11, s19, $0xb8;
	[tilespmem:$0xE060] =	vst v63  }
0x5c: {  	_ =	swait.ge [sflag:s17], $0x50  }
0x5d: {  	[sflag:s17] =	ssyncset.done $0x0  }
0x5e: {  	[sflag:s17] =	ssyncadd.s32 $0xFFFFFFB0  }
0x5f: {  	_ =	swait.ge [sflag:s25], $0xA00  }
0x60: {  	[sflag:s25] =	ssyncset.done $0x0  }
0x61: {  	s30 =	simm.s32 $0x1810;
	[sflag:s25] =	ssyncadd.s32 $0xFFFFF600  }
0x62: {  	[tilespmem:s21], [sflag:$0x1] =	stream.indirect.gather [hbm4b:s8+s19], $0x20, s30, s19, $0xb8;
	[tilespmem:$0xE060] =	vst v63  }
0x63: {  	s31 =	simm.s32 $0x1F90  }
0x64: {  	[spmem:s3] =	stream.indirect.scatter.add.bf16 [tilespmem:s23], [sflag:$0x3], $0x20, s31, s19, $0xb8;
	[tilespmem:$0xE060] =	vst v63  }
0x65: {  	_ =	swait.ge [sflag:s17], $0xA00  }
0x66: {  	[sflag:s17] =	ssyncset.done $0x0  }
0x67: {  	[sflag:s17] =	ssyncadd.s32 $0xFFFFF600  }
0x68: {  	[spmem:s4] =	stream.indirect.scatter.add.f32 [tilespmem:s24], [sflag:$0x3], $0x1, s31, s19, $0xb8;
	[tilespmem:$0xE060] =	vst v63  }
0x69: {  	_ =	swait.ge [sflag:s17], $0x50  }
0x6a: {  	s29 =	simm.s32 $0x280;
	[sflag:s17] =	ssyncset.done $0x0  }
.LBB2_5:
0x6b: {  	p0 =	sne.s32 s29, $0x1B80  }
0x6c: {  	[sflag:s17] =	ssyncadd.s32 $0xFFFFFFB0;
	s0 =	smov.u32 s29;
	s29 =	sadd.s32 $0x280, s29  }
0x6d: {  	_ =	swait.ge [sflag:s22], $0xA00  }
0x6e: {  	s0 =	sshra.s32 s0, $0x2;
	[sflag:s22] =	ssyncset.done $0x0  }
0x6f: {  	s2 =	sadd.s32 $0x17C0, s0;
	[sflag:s22] =	ssyncadd.s32 $0xFFFFF600  }
0x70: {  	[tilespmem:s23], [sflag:$0x2] =	stream.indirect.gather [hbm4b:s8+s19], $0x20, s2, s19, $0xb8;
	[tilespmem:$0xE060] =	vst v63  }
0x71: {  	s2 =	sadd.s32 $0x1F40, s0  }
0x72: {  	[spmem:s3] =	stream.indirect.scatter.add.bf16 [tilespmem:s21], [sflag:$0x3], $0x20, s2, s19, $0xb8;
	[tilespmem:$0xE060] =	vst v63  }
0x73: {  	_ =	swait.ge [sflag:s17], $0xA00  }
0x74: {  	[sflag:s17] =	ssyncset.done $0x0  }
0x75: {  	[sflag:s17] =	ssyncadd.s32 $0xFFFFF600  }
0x76: {  	[spmem:s4] =	stream.indirect.scatter.add.f32 [tilespmem:s24], [sflag:$0x3], $0x1, s2, s19, $0xb8;
	[tilespmem:$0xE060] =	vst v63  }
0x77: {  	_ =	swait.ge [sflag:s17], $0x50  }
0x78: {  	[sflag:s17] =	ssyncset.done $0x0  }
0x79: {  	[sflag:s17] =	ssyncadd.s32 $0xFFFFFFB0  }
0x7a: {  	_ =	swait.ge [sflag:s25], $0xA00  }
0x7b: {  	[sflag:s25] =	ssyncset.done $0x0  }
0x7c: {  	s2 =	sadd.s32 $0x1810, s0;
	[sflag:s25] =	ssyncadd.s32 $0xFFFFF600  }
0x7d: {  	[tilespmem:s21], [sflag:$0x1] =	stream.indirect.gather [hbm4b:s8+s19], $0x20, s2, s19, $0xb8;
	[tilespmem:$0xE060] =	vst v63  }
0x7e: {  	s0 =	sadd.s32 $0x1F90, s0  }
0x7f: {  	[spmem:s3] =	stream.indirect.scatter.add.bf16 [tilespmem:s23], [sflag:$0x3], $0x20, s0, s19, $0xb8;
	[tilespmem:$0xE060] =	vst v63  }
0x80: {  	_ =	swait.ge [sflag:s17], $0xA00  }
.Ltmp1:
0x81: {  	[sflag:s17] =	ssyncset.done $0x0;
	(pc) =	sbr.rel @p0 .LBB2_5-.Ltmp1, $4  }
0x82: {  	[sflag:s17] =	ssyncadd.s32 $0xFFFFF600  }
0x83: {  	[spmem:s4] =	stream.indirect.scatter.add.f32 [tilespmem:s24], [sflag:$0x3], $0x1, s0, s19, $0xb8;
	[tilespmem:$0xE060] =	vst v63  }
0x84: {  	_ =	swait.ge [sflag:s17], $0x50  }
0x85: {  	[sflag:s17] =	ssyncset.done $0x0  }
0x86: {  	[sflag:s17] =	ssyncadd.s32 $0xFFFFFFB0  }
0x87: {  	_ =	swait.ge [sflag:s22], $0xA00  }
0x88: {  	[sflag:s22] =	ssyncset.done $0x0  }
0x89: {  	[sflag:s22] =	ssyncadd.s32 $0xFFFFF600  }
0x8a: {  	[spmem:s3] =	stream.indirect.scatter.add.bf16 [tilespmem:s21], [sflag:$0x3], $0x20, s26, s19, $0xb8;
	[tilespmem:$0xE060] =	vst v63  }
0x8b: {  	s28 =	sadd.s32 $0x1, s28;
	_ =	swait.ge [sflag:s17], $0xA00  }
0x8c: {  	p0 =	sne.s32 s28, $0x5;
	[sflag:s17] =	ssyncset.done $0x0  }
.Ltmp2:
0x8d: {  	[sflag:s17] =	ssyncadd.s32 $0xFFFFF600;
	(pc) =	sbr.rel @p0 .LBB2_2-.Ltmp2, $4  }
0x8e: {  	[spmem:s4] =	stream.indirect.scatter.add.f32 [tilespmem:s24], [sflag:$0x3], $0x1, s26, s19, $0xb8;
	[tilespmem:$0xE060] =	vst v63  }
0x8f: {  	_ =	swait.ge [sflag:s17], $0x50  }
0x90: {  	[sflag:s17] =	ssyncset.done $0x0  }
0x91: {  	[sflag:s17] =	ssyncadd.s32 $0xFFFFFFB0  }
0x92: {  	[bflag:$0x0] =	sbarrier.arrive $0xFFFF  }
0x93: {  	[hbm:s13], [sflag:s10] =	dma.local [spmem:s16], $0x1400  }
0x94: {  	s5 =	sadd.s32 $0x1, s5;
	_ =	swait.ge [sflag:s17], $0x1400  }
0x95: {  	p0 =	sne.s32 s5, s15;
	[sflag:s17] =	ssyncset.done $0x0  }
.Ltmp3:
0x96: {  	[sflag:s17] =	ssyncadd.s32 $0xFFFFEC00;
	(pc) =	sbr.rel @p0 .LBB2_1-.Ltmp3, $4  }
0x97: {  	[hbm:s14], [sflag:s10] =	dma.local [spmem:s18], $0xA0  }
0x98: {  	_ =	swait.ge [sflag:s17], $0xA0  }
0x99: {  	[sflag:s17] =	ssyncset.done $0x0  }
0x9a: {  	[sflag:s17] =	ssyncadd.s32 $0xFFFFFF60  }
0x9b: {  	_ =	sfence.sel $0x180000  }
0x9c: {  	[bflag:$0x0] =	sbarrier.arrive $0xFFFF  }
0x9d: {  	_ =	strace $0x90000047  }
0x9e: {  	s0 =	stileid.u32;
	[bflag:$0x2] =	sbarrier.arrive $0xFFFF  }
0x9f: {  	p0 =	sne.s32 s0, $0x0;
	s0 =	rddreg [dreg:$0x5]  }
0xa0: {  	s0 =	sadd.s32 @!p0 $0x100000, s0  }
0xa1: {  	[sflag:s0] =	ssyncadd.tile.s32 @!p0 $0x1;
	_ =	shalt  }
.Lfunc_end2:
_tile_overlayer_lowered:
.L_overlay_start_2:
0xa2: {  	(tag) =	ssettag $0x2  }
0xa3: {  	s0 =	rddreg [dreg:$0x0];
	s2 =	stileid.u32  }
0xa4: {  	s1 =	rddreg [dreg:$0x1];
	p0 =	sne.s32 s2, $0x0  }
0xa5: {  	s3 =	rddreg [dreg:$0x2];
	[bflag:$0x3] =	sbarrier.arrive $0xFFFF;
	s2 =	simm.s32 @!p0 $0x1C03  }
0xa6: {  	[timem:s3], [sflag:s2] =	dma.local @!p0 [hbm:s0], s1  }
0xa7: {  	s0 =	simm.s32 @!p0 $0x3  }
0xa8: {  	_ =	swait.ge @!p0 [sflag:s0], s1  }
0xa9: {  	s1 =	ssub.s32 @!p0 $0x0, s1;
	[sflag:s0] =	ssyncset.done @!p0 $0x0  }
0xaa: {  	[sflag:s0] =	ssyncadd.s32 @!p0 s1  }
0xab: {  	[bflag:$0x3] =	sbarrier.arrive $0xFFFF  }
0xac: {  	_ =	shalt  }

</sc_bundles>
